<compile_context>
chip_gen: v7x
topology: tpu7x:2x2x1
jax: 0.10.2.dev20260603
libtpu: 0.0.44.dev20260713+nightly
codegen_flags: <defaults>
</compile_context>

<pallas_src>
import functools

import jax
import jax.numpy as jnp
from jax import lax
from jax.experimental import pallas as pl
from jax.experimental.pallas import tpu as pltpu
from jax.experimental.pallas import tpu_sc as plsc


def _probs_body(idx_ref, val_ref, win_ref, out_ref):
    idx = idx_ref[...]
    val = val_ref[...]
    win = win_ref[...]
    eq = idx[:, :, None] == idx[:, None, :]
    sel = eq & (win[:, None, :] == 1)
    win_val = jnp.max(jnp.where(sel, val[:, None, :], -1e30), axis=2)
    winner = win == 1
    m = jnp.max(jnp.where(winner, val, -1e30), axis=1, keepdims=True)
    denom = jnp.sum(jnp.where(winner, jnp.exp(val - m), 0.0), axis=1,
                    keepdims=True)
    out_ref[...] = jnp.exp(win_val - m) / denom


def _compute_probs(idx, val, rank, block_rows=512):
    B, K = idx.shape
    spec = pl.BlockSpec((block_rows, K), lambda i: (i, 0))
    return pl.pallas_call(
        _probs_body,
        grid=(B // block_rows,),
        in_specs=[spec, spec, spec],
        out_specs=spec,
        out_shape=jax.ShapeDtypeStruct((B, K), jnp.float32),
    )(idx, val, rank)


@functools.lru_cache(maxsize=None)
def _make_rank_scatter(BK):
    info = plsc.get_sparse_core_info()
    NC, NS = info.num_cores, info.num_subcores
    NW = NC * NS
    CH = BK // NW
    CHUNK = 8192
    NCK = BK // CHUNK
    mesh = plsc.VectorSubcoreMesh(core_axis_name="c", subcore_axis_name="s")

    @functools.partial(
        pl.kernel,
        mesh=mesh,
        compiler_params=pltpu.CompilerParams(needs_layout_passes=False),
        out_type=jax.ShapeDtypeStruct((BK,), jnp.int32),
        scratch_types=[
            pltpu.VMEM((CHUNK,), jnp.int32),
            pltpu.VMEM((CHUNK,), jnp.int32),
            pltpu.VMEM((CH,), jnp.int32),
        ],
    )
    def rk(sp_hbm, val_hbm, rank_hbm, spv, flv, outv):
        wid = lax.axis_index("s") * NC + lax.axis_index("c")
        base = wid * CH

        def chunk(c, carry):
            pltpu.sync_copy(sp_hbm.at[pl.ds(c * CHUNK, CHUNK)], spv)
            pltpu.sync_copy(val_hbm.at[pl.ds(c * CHUNK, CHUNK)], flv)

            def vec(i, carry2):
                for u in range(4):
                    off = (i * 4 + u) * 16
                    iv = spv[pl.ds(off, 16)]
                    fv = flv[pl.ds(off, 16)]
                    local = iv - base
                    mask = (local >= 0) & (local < CH)
                    safe = jnp.where(mask, local, 0)
                    plsc.store_scatter(outv, [safe], fv, mask=mask)
                return carry2

            lax.fori_loop(0, CHUNK // 64, vec, 0)
            return carry

        lax.fori_loop(0, NCK, chunk, 0)
        pltpu.sync_copy(outv, rank_hbm.at[pl.ds(base, CH)])

    return rk


@functools.lru_cache(maxsize=None)
def _make_scatter(B, D, K):
    info = plsc.get_sparse_core_info()
    NC, NS = info.num_cores, info.num_subcores
    NW = NC * NS
    RPW = B // NW
    RPT = 8
    NG = RPW // RPT
    NCHUNK = K // 16
    mesh = plsc.VectorSubcoreMesh(core_axis_name="c", subcore_axis_name="s")

    @functools.partial(
        pl.kernel,
        mesh=mesh,
        compiler_params=pltpu.CompilerParams(needs_layout_passes=False),
        out_type=jax.ShapeDtypeStruct((B * D,), jnp.float32),
        scratch_types=[
            pltpu.VMEM((RPW * K,), jnp.int32),
            pltpu.VMEM((RPW * K,), jnp.float32),
            pltpu.VMEM((RPT * D,), jnp.float32),
        ],
    )
    def sc(idx_hbm, prob_hbm, z_hbm, out_hbm, idxb, prb, buf):
        wid = lax.axis_index("s") * NC + lax.axis_index("c")
        base = wid * RPW
        pltpu.sync_copy(idx_hbm.at[pl.ds(base * K, RPW * K)], idxb)
        pltpu.sync_copy(prob_hbm.at[pl.ds(base * K, RPW * K)], prb)
        pltpu.sync_copy(z_hbm, buf)

        zv = jnp.zeros((16,), jnp.float32)

        def group(g, carry):
            def scatter_row(i, carry2):
                roff = i * D
                koff = (g * RPT + i) * K
                for c in range(NCHUNK):
                    iv = idxb[pl.ds(koff + c * 16, 16)]
                    pv = prb[pl.ds(koff + c * 16, 16)]
                    plsc.store_scatter(buf, [iv + roff], pv)
                return carry2

            lax.fori_loop(0, RPT, scatter_row, 0)
            pltpu.sync_copy(
                buf, out_hbm.at[pl.ds((base + g * RPT) * D, RPT * D)])

            def zero_row(i, carry2):
                roff = i * D
                koff = (g * RPT + i) * K
                for c in range(NCHUNK):
                    iv = idxb[pl.ds(koff + c * 16, 16)]
                    plsc.store_scatter(buf, [iv + roff], zv)
                return carry2

            lax.fori_loop(0, RPT, zero_row, 0)
            return carry

        lax.fori_loop(0, NG, group, 0)

    return sc, RPT


def kernel(moves_mem, idx, val):
    B, D = moves_mem.shape
    K = idx.shape[1]
    keys = (idx * B + jnp.arange(B, dtype=jnp.int32)[:, None]).reshape(-1)
    pos = jnp.arange(B * K, dtype=jnp.float32)
    sk, sp = lax.sort((keys, pos), dimension=0, is_stable=False, num_keys=1)
    flag = jnp.concatenate(
        [(sk[:-1] != sk[1:]).astype(jnp.int32),
         jnp.ones((1,), jnp.int32)])
    rk = _make_rank_scatter(B * K)
    rank = rk(sp.astype(jnp.int32), flag).reshape(B, K)
    probs = _compute_probs(idx, val, rank)
    sc, rpt = _make_scatter(B, D, K)
    zeros = jnp.zeros((rpt * D,), jnp.float32)
    out1d = sc(idx.reshape(-1), probs.reshape(-1), zeros)
    return out1d.reshape(B, D)

# --- scband reference (transcript-rebuilt; emitter-appended) ---
"""Pipeline reference for scband-generic-net-9543417331721 (READ-ONLY COPY).

The authoritative reference and input builder live on the scoring server;
editing this copy changes nothing except your own understanding.
"""

import jax, jax.numpy as jnp
import numpy as np


def setup_inputs(seed: int = 0) -> dict:
    key = jax.random.key(seed)
    k1, k2 = jax.random.split(key)
    B, D, K = 4096, 4672, 64
    moves_mem = jnp.zeros((B, D), dtype=jnp.float32)
    idx = jax.random.randint(k1, (B, K), 0, D, dtype=jnp.int32)
    val = jax.random.uniform(k2, (B, K), dtype=jnp.float32)
    return {"moves_mem": moves_mem, "idx": idx, "val": val}


def reference(moves_mem, idx, val):
    # Faithful jax translation of the scatter pattern in GenericNet.tensorise_batch /
    # create_legal_move_mask: scatter per-move probabilities into a dense policy
    # memory tensor (moves_tens[idx] = prob), build the legal-move mask via
    # scatter-overwrite of ones (legal_move_mask[indices] = 1), then apply the
    # masked policy normalisation used at evaluation time.
    B = moves_mem.shape[0]
    rows = jnp.arange(B)[:, None]
    # scatter-overwrite: moves_tens[idx] = prob
    scattered = moves_mem.at[rows, idx].set(val)
    # scatter-overwrite: legal_move_mask[indices] = 1
    mask = jnp.zeros(moves_mem.shape, dtype=moves_mem.dtype).at[rows, idx].set(1.0)
    # masked softmax over the policy dimension (legal moves only)
    logits = jnp.where(mask > 0, scattered, jnp.full_like(scattered, -1e9))
    policy = jax.nn.softmax(logits, axis=-1) * mask
    return policy

if __name__ == "__main__":
    import jax
    _d = setup_inputs()
    print(jax.jit(kernel)(*tuple(_d.values())))

</pallas_src>

<mosaic_0001>
#map = affine_map<(d0, d1) -> (0)>
module attributes {stable_mosaic.version = 14 : i64} {
  func.func @rk(%arg0: i32, %arg1: i32, %arg2: memref<262144xi32, #tpu.memory_space<hbm>>, %arg3: memref<262144xi32, #tpu.memory_space<hbm>>, %arg4: memref<262144xi32, #tpu.memory_space<hbm>>, %arg5: memref<8192xi32, #tpu.memory_space<vmem>>, %arg6: memref<8192xi32, #tpu.memory_space<vmem>>, %arg7: memref<8192xi32, #tpu.memory_space<vmem>>) attributes {dimension_semantics = [#tpu.dimension_semantics<core_parallel>, #tpu.dimension_semantics<subcore_parallel>], iteration_bounds = array<i64: 2, 16>, scalar_prefetch = 0 : i64, scratch_operands = 3 : i64, tpu.core_type = #tpu.core_type<sc_vector_subcore>, window_params = [{transform_indices = #map}, {transform_indices = #map}, {transform_indices = #map}]} {
    %mul3A = arith.constant 2 : i32
    %mul3A_0 = arith.muli %arg1, %mul3A : i32
    %add3A = arith.addi %mul3A_0, %arg0 : i32
    %mul3A_1 = arith.constant 8192 : i32
    %mul3A_2 = arith.muli %add3A, %mul3A_1 : i32
    %scan3A = arith.constant 0 : i32
    %scan3A_3 = arith.constant 0 : i32
    %scan3A_4 = arith.constant 32 : i32
    %scan3A_5 = arith.addi %scan3A_3, %scan3A_4 : i32
    %scan3A_6 = arith.constant 1 : i32
    scf.for %scan3A_8 = %scan3A_3 to %scan3A_5 step %scan3A_6  : i32 {
      %mul3A_9 = arith.constant 8192 : i32
      %mul3A_10 = arith.muli %scan3A_8, %mul3A_9 : i32
      "tpu.region"() ({
        %run_scoped3A = tpu.sem_alloc : memref<!tpu.dma_semaphore, #tpu.memory_space<semaphore_mem>>
        %dma_start3A = tpu.memref_slice %arg2[%mul3A_10] : memref<262144xi32, #tpu.memory_space<hbm>> -> memref<8192xi32, #tpu.memory_space<hbm>>
        %dma_start3A_19 = tpu.memref_slice %arg2[%mul3A_10] : memref<262144xi32, #tpu.memory_space<hbm>> -> memref<8192xi32, #tpu.memory_space<hbm>>
        tpu.enqueue_dma source(%dma_start3A_19 : memref<8192xi32, #tpu.memory_space<hbm>>) target(%arg5 : memref<8192xi32, #tpu.memory_space<vmem>>) target_semaphore(%run_scoped3A : memref<!tpu.dma_semaphore, #tpu.memory_space<semaphore_mem>>)
        %dma_wait3A = tpu.memref_slice %arg2[%mul3A_10] : memref<262144xi32, #tpu.memory_space<hbm>> -> memref<8192xi32, #tpu.memory_space<hbm>>
        %dma_wait3A_20 = tpu.memref_slice %arg2[%mul3A_10] : memref<262144xi32, #tpu.memory_space<hbm>> -> memref<8192xi32, #tpu.memory_space<hbm>>
        tpu.wait_dma2 semaphore(%run_scoped3A : memref<!tpu.dma_semaphore, #tpu.memory_space<semaphore_mem>>) src(%dma_wait3A_20 : memref<8192xi32, #tpu.memory_space<hbm>>) dst(%arg5 : memref<8192xi32, #tpu.memory_space<vmem>>)
        tpu.yield
      }) : () -> ()
      %mul3A_11 = arith.constant 8192 : i32
      %mul3A_12 = arith.muli %scan3A_8, %mul3A_11 : i32
      "tpu.region"() ({
        %run_scoped3A = tpu.sem_alloc : memref<!tpu.dma_semaphore, #tpu.memory_space<semaphore_mem>>
        %dma_start3A = tpu.memref_slice %arg3[%mul3A_12] : memref<262144xi32, #tpu.memory_space<hbm>> -> memref<8192xi32, #tpu.memory_space<hbm>>
        %dma_start3A_19 = tpu.memref_slice %arg3[%mul3A_12] : memref<262144xi32, #tpu.memory_space<hbm>> -> memref<8192xi32, #tpu.memory_space<hbm>>
        tpu.enqueue_dma source(%dma_start3A_19 : memref<8192xi32, #tpu.memory_space<hbm>>) target(%arg6 : memref<8192xi32, #tpu.memory_space<vmem>>) target_semaphore(%run_scoped3A : memref<!tpu.dma_semaphore, #tpu.memory_space<semaphore_mem>>)
        %dma_wait3A = tpu.memref_slice %arg3[%mul3A_12] : memref<262144xi32, #tpu.memory_space<hbm>> -> memref<8192xi32, #tpu.memory_space<hbm>>
        %dma_wait3A_20 = tpu.memref_slice %arg3[%mul3A_12] : memref<262144xi32, #tpu.memory_space<hbm>> -> memref<8192xi32, #tpu.memory_space<hbm>>
        tpu.wait_dma2 semaphore(%run_scoped3A : memref<!tpu.dma_semaphore, #tpu.memory_space<semaphore_mem>>) src(%dma_wait3A_20 : memref<8192xi32, #tpu.memory_space<hbm>>) dst(%arg6 : memref<8192xi32, #tpu.memory_space<vmem>>)
        tpu.yield
      }) : () -> ()
      %scan3A_13 = arith.constant 0 : i32
      %scan3A_14 = arith.constant 0 : i32
      %scan3A_15 = arith.constant 128 : i32
      %scan3A_16 = arith.addi %scan3A_14, %scan3A_15 : i32
      %scan3A_17 = arith.constant 1 : i32
      scf.for %scan3A_19 = %scan3A_14 to %scan3A_16 step %scan3A_17  : i32 {
        %mul3A_20 = arith.constant 4 : i32
        %mul3A_21 = arith.muli %scan3A_19, %mul3A_20 : i32
        %add3A_22 = arith.constant 0 : i32
        %add3A_23 = arith.addi %mul3A_21, %add3A_22 : i32
        %mul3A_24 = arith.constant 16 : i32
        %mul3A_25 = arith.muli %add3A_23, %mul3A_24 : i32
        %get3A = arith.index_cast %mul3A_25 : i32 to index
        %get3A_26 = tpu.vector_load %arg5[%get3A] {strides = array<i32>} : memref<8192xi32, #tpu.memory_space<vmem>>, vector<16xi32>,
        %get3A_27 = arith.index_cast %mul3A_25 : i32 to index
        %get3A_28 = tpu.vector_load %arg6[%get3A_27] {strides = array<i32>} : memref<8192xi32, #tpu.memory_space<vmem>>, vector<16xi32>,
        %sub3A = vector.broadcast %mul3A_2 : i32 to vector<16xi32>
        %sub3A_29 = arith.subi %get3A_26, %sub3A : vector<16xi32>
        %ge3A = arith.constant 0 : i32
        %ge3A_30 = vector.broadcast %ge3A : i32 to vector<16xi32>
        %ge3A_31 = arith.cmpi sge, %sub3A_29, %ge3A_30 : vector<16xi32>
        %lt3A = arith.constant 8192 : i32
        %lt3A_32 = vector.broadcast %lt3A : i32 to vector<16xi32>
        %lt3A_33 = arith.cmpi slt, %sub3A_29, %lt3A_32 : vector<16xi32>
        %and3A = arith.andi %ge3A_31, %lt3A_33 : vector<16xi1>
        %jit3A = arith.constant 0 : i32
        %broadcast_in_dim3A = vector.broadcast %jit3A : i32 to vector<16xi32>
        %select_n3A = arith.select %and3A, %sub3A_29, %broadcast_in_dim3A : vector<16xi1>, vector<16xi32>
        tpu.vector_store_idx %arg7[%select_n3A], %get3A_28 masked %and3A : memref<8192xi32, #tpu.memory_space<vmem>>[vector<16xi32>], vector<16xi32>, vector<16xi1>
        %mul3A_34 = arith.constant 4 : i32
        %mul3A_35 = arith.muli %scan3A_19, %mul3A_34 : i32
        %add3A_36 = arith.constant 1 : i32
        %add3A_37 = arith.addi %mul3A_35, %add3A_36 : i32
        %mul3A_38 = arith.constant 16 : i32
        %mul3A_39 = arith.muli %add3A_37, %mul3A_38 : i32
        %get3A_40 = arith.index_cast %mul3A_39 : i32 to index
        %get3A_41 = tpu.vector_load %arg5[%get3A_40] {strides = array<i32>} : memref<8192xi32, #tpu.memory_space<vmem>>, vector<16xi32>,
        %get3A_42 = arith.index_cast %mul3A_39 : i32 to index
        %get3A_43 = tpu.vector_load %arg6[%get3A_42] {strides = array<i32>} : memref<8192xi32, #tpu.memory_space<vmem>>, vector<16xi32>,
        %sub3A_44 = vector.broadcast %mul3A_2 : i32 to vector<16xi32>
        %sub3A_45 = arith.subi %get3A_41, %sub3A_44 : vector<16xi32>
        %ge3A_46 = arith.constant 0 : i32
        %ge3A_47 = vector.broadcast %ge3A_46 : i32 to vector<16xi32>
        %ge3A_48 = arith.cmpi sge, %sub3A_45, %ge3A_47 : vector<16xi32>
        %lt3A_49 = arith.constant 8192 : i32
        %lt3A_50 = vector.broadcast %lt3A_49 : i32 to vector<16xi32>
        %lt3A_51 = arith.cmpi slt, %sub3A_45, %lt3A_50 : vector<16xi32>
        %and3A_52 = arith.andi %ge3A_48, %lt3A_51 : vector<16xi1>
        %jit3A_53 = arith.constant 0 : i32
        %broadcast_in_dim3A_54 = vector.broadcast %jit3A_53 : i32 to vector<16xi32>
        %select_n3A_55 = arith.select %and3A_52, %sub3A_45, %broadcast_in_dim3A_54 : vector<16xi1>, vector<16xi32>
        tpu.vector_store_idx %arg7[%select_n3A_55], %get3A_43 masked %and3A_52 : memref<8192xi32, #tpu.memory_space<vmem>>[vector<16xi32>], vector<16xi32>, vector<16xi1>
        %mul3A_56 = arith.constant 4 : i32
        %mul3A_57 = arith.muli %scan3A_19, %mul3A_56 : i32
        %add3A_58 = arith.constant 2 : i32
        %add3A_59 = arith.addi %mul3A_57, %add3A_58 : i32
        %mul3A_60 = arith.constant 16 : i32
        %mul3A_61 = arith.muli %add3A_59, %mul3A_60 : i32
        %get3A_62 = arith.index_cast %mul3A_61 : i32 to index
        %get3A_63 = tpu.vector_load %arg5[%get3A_62] {strides = array<i32>} : memref<8192xi32, #tpu.memory_space<vmem>>, vector<16xi32>,
        %get3A_64 = arith.index_cast %mul3A_61 : i32 to index
        %get3A_65 = tpu.vector_load %arg6[%get3A_64] {strides = array<i32>} : memref<8192xi32, #tpu.memory_space<vmem>>, vector<16xi32>,
        %sub3A_66 = vector.broadcast %mul3A_2 : i32 to vector<16xi32>
        %sub3A_67 = arith.subi %get3A_63, %sub3A_66 : vector<16xi32>
        %ge3A_68 = arith.constant 0 : i32
        %ge3A_69 = vector.broadcast %ge3A_68 : i32 to vector<16xi32>
        %ge3A_70 = arith.cmpi sge, %sub3A_67, %ge3A_69 : vector<16xi32>
        %lt3A_71 = arith.constant 8192 : i32
        %lt3A_72 = vector.broadcast %lt3A_71 : i32 to vector<16xi32>
        %lt3A_73 = arith.cmpi slt, %sub3A_67, %lt3A_72 : vector<16xi32>
        %and3A_74 = arith.andi %ge3A_70, %lt3A_73 : vector<16xi1>
        %jit3A_75 = arith.constant 0 : i32
        %broadcast_in_dim3A_76 = vector.broadcast %jit3A_75 : i32 to vector<16xi32>
        %select_n3A_77 = arith.select %and3A_74, %sub3A_67, %broadcast_in_dim3A_76 : vector<16xi1>, vector<16xi32>
        tpu.vector_store_idx %arg7[%select_n3A_77], %get3A_65 masked %and3A_74 : memref<8192xi32, #tpu.memory_space<vmem>>[vector<16xi32>], vector<16xi32>, vector<16xi1>
        %mul3A_78 = arith.constant 4 : i32
        %mul3A_79 = arith.muli %scan3A_19, %mul3A_78 : i32
        %add3A_80 = arith.constant 3 : i32
        %add3A_81 = arith.addi %mul3A_79, %add3A_80 : i32
        %mul3A_82 = arith.constant 16 : i32
        %mul3A_83 = arith.muli %add3A_81, %mul3A_82 : i32
        %get3A_84 = arith.index_cast %mul3A_83 : i32 to index
        %get3A_85 = tpu.vector_load %arg5[%get3A_84] {strides = array<i32>} : memref<8192xi32, #tpu.memory_space<vmem>>, vector<16xi32>,
        %get3A_86 = arith.index_cast %mul3A_83 : i32 to index
        %get3A_87 = tpu.vector_load %arg6[%get3A_86] {strides = array<i32>} : memref<8192xi32, #tpu.memory_space<vmem>>, vector<16xi32>,
        %sub3A_88 = vector.broadcast %mul3A_2 : i32 to vector<16xi32>
        %sub3A_89 = arith.subi %get3A_85, %sub3A_88 : vector<16xi32>
        %ge3A_90 = arith.constant 0 : i32
        %ge3A_91 = vector.broadcast %ge3A_90 : i32 to vector<16xi32>
        %ge3A_92 = arith.cmpi sge, %sub3A_89, %ge3A_91 : vector<16xi32>
        %lt3A_93 = arith.constant 8192 : i32
        %lt3A_94 = vector.broadcast %lt3A_93 : i32 to vector<16xi32>
        %lt3A_95 = arith.cmpi slt, %sub3A_89, %lt3A_94 : vector<16xi32>
        %and3A_96 = arith.andi %ge3A_92, %lt3A_95 : vector<16xi1>
        %jit3A_97 = arith.constant 0 : i32
        %broadcast_in_dim3A_98 = vector.broadcast %jit3A_97 : i32 to vector<16xi32>
        %select_n3A_99 = arith.select %and3A_96, %sub3A_89, %broadcast_in_dim3A_98 : vector<16xi1>, vector<16xi32>
        tpu.vector_store_idx %arg7[%select_n3A_99], %get3A_87 masked %and3A_96 : memref<8192xi32, #tpu.memory_space<vmem>>[vector<16xi32>], vector<16xi32>, vector<16xi1>
      }
      %scan3A_18 = arith.constant 128 : i32
    }
    %scan3A_7 = arith.constant 32 : i32
    "tpu.region"() ({
      %run_scoped3A = tpu.sem_alloc : memref<!tpu.dma_semaphore, #tpu.memory_space<semaphore_mem>>
      %dma_start3A = tpu.memref_slice %arg4[%mul3A_2] : memref<262144xi32, #tpu.memory_space<hbm>> -> memref<8192xi32, #tpu.memory_space<hbm>>
      %dma_start3A_8 = tpu.memref_slice %arg4[%mul3A_2] : memref<262144xi32, #tpu.memory_space<hbm>> -> memref<8192xi32, #tpu.memory_space<hbm>>
      tpu.enqueue_dma source(%arg7 : memref<8192xi32, #tpu.memory_space<vmem>>) target(%dma_start3A_8 : memref<8192xi32, #tpu.memory_space<hbm>>) target_semaphore(%run_scoped3A : memref<!tpu.dma_semaphore, #tpu.memory_space<semaphore_mem>>)
      %dma_wait3A = tpu.memref_slice %arg4[%mul3A_2] : memref<262144xi32, #tpu.memory_space<hbm>> -> memref<8192xi32, #tpu.memory_space<hbm>>
      %dma_wait3A_9 = tpu.memref_slice %arg4[%mul3A_2] : memref<262144xi32, #tpu.memory_space<hbm>> -> memref<8192xi32, #tpu.memory_space<hbm>>
      tpu.wait_dma2 semaphore(%run_scoped3A : memref<!tpu.dma_semaphore, #tpu.memory_space<semaphore_mem>>) src(%arg7 : memref<8192xi32, #tpu.memory_space<vmem>>) dst(%dma_wait3A_9 : memref<8192xi32, #tpu.memory_space<hbm>>)
      tpu.yield
    }) : () -> ()
    return
  }
}

#map = affine_map<(d0, d1) -> (0)>
module attributes {stable_mosaic.version = 14 : i64} {
  func.func @sc(%arg0: i32, %arg1: i32, %arg2: memref<262144xi32, #tpu.memory_space<hbm>>, %arg3: memref<262144xf32, #tpu.memory_space<hbm>>, %arg4: memref<37376xf32, #tpu.memory_space<hbm>>, %arg5: memref<19136512xf32, #tpu.memory_space<hbm>>, %arg6: memref<8192xi32, #tpu.memory_space<vmem>>, %arg7: memref<8192xf32, #tpu.memory_space<vmem>>, %arg8: memref<37376xf32, #tpu.memory_space<vmem>>) attributes {dimension_semantics = [#tpu.dimension_semantics<core_parallel>, #tpu.dimension_semantics<subcore_parallel>], iteration_bounds = array<i64: 2, 16>, scalar_prefetch = 0 : i64, scratch_operands = 3 : i64, tpu.core_type = #tpu.core_type<sc_vector_subcore>, window_params = [{transform_indices = #map}, {transform_indices = #map}, {transform_indices = #map}, {transform_indices = #map}]} {
    %mul3A = arith.constant 2 : i32
    %mul3A_0 = arith.muli %arg1, %mul3A : i32
    %add3A = arith.addi %mul3A_0, %arg0 : i32
    %mul3A_1 = arith.constant 128 : i32
    %mul3A_2 = arith.muli %add3A, %mul3A_1 : i32
    %mul3A_3 = arith.constant 64 : i32
    %mul3A_4 = arith.muli %mul3A_2, %mul3A_3 : i32
    "tpu.region"() ({
      %run_scoped3A = tpu.sem_alloc : memref<!tpu.dma_semaphore, #tpu.memory_space<semaphore_mem>>
      %dma_start3A = tpu.memref_slice %arg2[%mul3A_4] : memref<262144xi32, #tpu.memory_space<hbm>> -> memref<8192xi32, #tpu.memory_space<hbm>>
      %dma_start3A_13 = tpu.memref_slice %arg2[%mul3A_4] : memref<262144xi32, #tpu.memory_space<hbm>> -> memref<8192xi32, #tpu.memory_space<hbm>>
      tpu.enqueue_dma source(%dma_start3A_13 : memref<8192xi32, #tpu.memory_space<hbm>>) target(%arg6 : memref<8192xi32, #tpu.memory_space<vmem>>) target_semaphore(%run_scoped3A : memref<!tpu.dma_semaphore, #tpu.memory_space<semaphore_mem>>)
      %dma_wait3A = tpu.memref_slice %arg2[%mul3A_4] : memref<262144xi32, #tpu.memory_space<hbm>> -> memref<8192xi32, #tpu.memory_space<hbm>>
      %dma_wait3A_14 = tpu.memref_slice %arg2[%mul3A_4] : memref<262144xi32, #tpu.memory_space<hbm>> -> memref<8192xi32, #tpu.memory_space<hbm>>
      tpu.wait_dma2 semaphore(%run_scoped3A : memref<!tpu.dma_semaphore, #tpu.memory_space<semaphore_mem>>) src(%dma_wait3A_14 : memref<8192xi32, #tpu.memory_space<hbm>>) dst(%arg6 : memref<8192xi32, #tpu.memory_space<vmem>>)
      tpu.yield
    }) : () -> ()
    %mul3A_5 = arith.constant 64 : i32
    %mul3A_6 = arith.muli %mul3A_2, %mul3A_5 : i32
    "tpu.region"() ({
      %run_scoped3A = tpu.sem_alloc : memref<!tpu.dma_semaphore, #tpu.memory_space<semaphore_mem>>
      %dma_start3A = tpu.memref_slice %arg3[%mul3A_6] : memref<262144xf32, #tpu.memory_space<hbm>> -> memref<8192xf32, #tpu.memory_space<hbm>>
      %dma_start3A_13 = tpu.memref_slice %arg3[%mul3A_6] : memref<262144xf32, #tpu.memory_space<hbm>> -> memref<8192xf32, #tpu.memory_space<hbm>>
      tpu.enqueue_dma source(%dma_start3A_13 : memref<8192xf32, #tpu.memory_space<hbm>>) target(%arg7 : memref<8192xf32, #tpu.memory_space<vmem>>) target_semaphore(%run_scoped3A : memref<!tpu.dma_semaphore, #tpu.memory_space<semaphore_mem>>)
      %dma_wait3A = tpu.memref_slice %arg3[%mul3A_6] : memref<262144xf32, #tpu.memory_space<hbm>> -> memref<8192xf32, #tpu.memory_space<hbm>>
      %dma_wait3A_14 = tpu.memref_slice %arg3[%mul3A_6] : memref<262144xf32, #tpu.memory_space<hbm>> -> memref<8192xf32, #tpu.memory_space<hbm>>
      tpu.wait_dma2 semaphore(%run_scoped3A : memref<!tpu.dma_semaphore, #tpu.memory_space<semaphore_mem>>) src(%dma_wait3A_14 : memref<8192xf32, #tpu.memory_space<hbm>>) dst(%arg7 : memref<8192xf32, #tpu.memory_space<vmem>>)
      tpu.yield
    }) : () -> ()
    "tpu.region"() ({
      %run_scoped3A = tpu.sem_alloc : memref<!tpu.dma_semaphore, #tpu.memory_space<semaphore_mem>>
      tpu.enqueue_dma source(%arg4 : memref<37376xf32, #tpu.memory_space<hbm>>) target(%arg8 : memref<37376xf32, #tpu.memory_space<vmem>>) target_semaphore(%run_scoped3A : memref<!tpu.dma_semaphore, #tpu.memory_space<semaphore_mem>>)
      tpu.wait_dma2 semaphore(%run_scoped3A : memref<!tpu.dma_semaphore, #tpu.memory_space<semaphore_mem>>) src(%arg4 : memref<37376xf32, #tpu.memory_space<hbm>>) dst(%arg8 : memref<37376xf32, #tpu.memory_space<vmem>>)
      tpu.yield
    }) : () -> ()
    %broadcast_in_dim3A = arith.constant 0.000000e+00 : f32
    %broadcast_in_dim3A_7 = vector.broadcast %broadcast_in_dim3A : f32 to vector<16xf32>
    %scan3A = arith.constant 0 : i32
    %scan3A_8 = arith.constant 0 : i32
    %scan3A_9 = arith.constant 16 : i32
    %scan3A_10 = arith.addi %scan3A_8, %scan3A_9 : i32
    %scan3A_11 = arith.constant 1 : i32
    scf.for %scan3A_13 = %scan3A_8 to %scan3A_10 step %scan3A_11  : i32 {
      %scan3A_14 = arith.constant 0 : i32
      %scan3A_15 = arith.constant 0 : i32
      %scan3A_16 = arith.constant 8 : i32
      %scan3A_17 = arith.addi %scan3A_15, %scan3A_16 : i32
      %scan3A_18 = arith.constant 1 : i32
      scf.for %scan3A_31 = %scan3A_15 to %scan3A_17 step %scan3A_18  : i32 {
        %mul3A_32 = arith.constant 4672 : i32
        %mul3A_33 = arith.muli %scan3A_31, %mul3A_32 : i32
        %mul3A_34 = arith.constant 8 : i32
        %mul3A_35 = arith.muli %scan3A_13, %mul3A_34 : i32
        %add3A_36 = arith.addi %mul3A_35, %scan3A_31 : i32
        %mul3A_37 = arith.constant 64 : i32
        %mul3A_38 = arith.muli %add3A_36, %mul3A_37 : i32
        %add3A_39 = arith.constant 0 : i32
        %add3A_40 = arith.addi %mul3A_38, %add3A_39 : i32
        %get3A = arith.index_cast %add3A_40 : i32 to index
        %get3A_41 = tpu.vector_load %arg6[%get3A] {strides = array<i32>} : memref<8192xi32, #tpu.memory_space<vmem>>, vector<16xi32>,
        %add3A_42 = arith.constant 0 : i32
        %add3A_43 = arith.addi %mul3A_38, %add3A_42 : i32
        %get3A_44 = arith.index_cast %add3A_43 : i32 to index
        %get3A_45 = tpu.vector_load %arg7[%get3A_44] {strides = array<i32>} : memref<8192xf32, #tpu.memory_space<vmem>>, vector<16xf32>,
        %add3A_46 = vector.broadcast %mul3A_33 : i32 to vector<16xi32>
        %add3A_47 = arith.addi %get3A_41, %add3A_46 : vector<16xi32>
        tpu.vector_store_idx %arg8[%add3A_47], %get3A_45 : memref<37376xf32, #tpu.memory_space<vmem>>[vector<16xi32>], vector<16xf32>,
        %add3A_48 = arith.constant 16 : i32
        %add3A_49 = arith.addi %mul3A_38, %add3A_48 : i32
        %get3A_50 = arith.index_cast %add3A_49 : i32 to index
        %get3A_51 = tpu.vector_load %arg6[%get3A_50] {strides = array<i32>} : memref<8192xi32, #tpu.memory_space<vmem>>, vector<16xi32>,
        %add3A_52 = arith.constant 16 : i32
        %add3A_53 = arith.addi %mul3A_38, %add3A_52 : i32
        %get3A_54 = arith.index_cast %add3A_53 : i32 to index
        %get3A_55 = tpu.vector_load %arg7[%get3A_54] {strides = array<i32>} : memref<8192xf32, #tpu.memory_space<vmem>>, vector<16xf32>,
        %add3A_56 = vector.broadcast %mul3A_33 : i32 to vector<16xi32>
        %add3A_57 = arith.addi %get3A_51, %add3A_56 : vector<16xi32>
        tpu.vector_store_idx %arg8[%add3A_57], %get3A_55 : memref<37376xf32, #tpu.memory_space<vmem>>[vector<16xi32>], vector<16xf32>,
        %add3A_58 = arith.constant 32 : i32
        %add3A_59 = arith.addi %mul3A_38, %add3A_58 : i32
        %get3A_60 = arith.index_cast %add3A_59 : i32 to index
        %get3A_61 = tpu.vector_load %arg6[%get3A_60] {strides = array<i32>} : memref<8192xi32, #tpu.memory_space<vmem>>, vector<16xi32>,
        %add3A_62 = arith.constant 32 : i32
        %add3A_63 = arith.addi %mul3A_38, %add3A_62 : i32
        %get3A_64 = arith.index_cast %add3A_63 : i32 to index
        %get3A_65 = tpu.vector_load %arg7[%get3A_64] {strides = array<i32>} : memref<8192xf32, #tpu.memory_space<vmem>>, vector<16xf32>,
        %add3A_66 = vector.broadcast %mul3A_33 : i32 to vector<16xi32>
        %add3A_67 = arith.addi %get3A_61, %add3A_66 : vector<16xi32>
        tpu.vector_store_idx %arg8[%add3A_67], %get3A_65 : memref<37376xf32, #tpu.memory_space<vmem>>[vector<16xi32>], vector<16xf32>,
        %add3A_68 = arith.constant 48 : i32
        %add3A_69 = arith.addi %mul3A_38, %add3A_68 : i32
        %get3A_70 = arith.index_cast %add3A_69 : i32 to index
        %get3A_71 = tpu.vector_load %arg6[%get3A_70] {strides = array<i32>} : memref<8192xi32, #tpu.memory_space<vmem>>, vector<16xi32>,
        %add3A_72 = arith.constant 48 : i32
        %add3A_73 = arith.addi %mul3A_38, %add3A_72 : i32
        %get3A_74 = arith.index_cast %add3A_73 : i32 to index
        %get3A_75 = tpu.vector_load %arg7[%get3A_74] {strides = array<i32>} : memref<8192xf32, #tpu.memory_space<vmem>>, vector<16xf32>,
        %add3A_76 = vector.broadcast %mul3A_33 : i32 to vector<16xi32>
        %add3A_77 = arith.addi %get3A_71, %add3A_76 : vector<16xi32>
        tpu.vector_store_idx %arg8[%add3A_77], %get3A_75 : memref<37376xf32, #tpu.memory_space<vmem>>[vector<16xi32>], vector<16xf32>,
      }
      %scan3A_19 = arith.constant 8 : i32
      %mul3A_20 = arith.constant 8 : i32
      %mul3A_21 = arith.muli %scan3A_13, %mul3A_20 : i32
      %add3A_22 = arith.addi %mul3A_2, %mul3A_21 : i32
      %mul3A_23 = arith.constant 4672 : i32
      %mul3A_24 = arith.muli %add3A_22, %mul3A_23 : i32
      "tpu.region"() ({
        %run_scoped3A = tpu.sem_alloc : memref<!tpu.dma_semaphore, #tpu.memory_space<semaphore_mem>>
        %dma_start3A = tpu.memref_slice %arg5[%mul3A_24] : memref<19136512xf32, #tpu.memory_space<hbm>> -> memref<37376xf32, #tpu.memory_space<hbm>>
        %dma_start3A_31 = tpu.memref_slice %arg5[%mul3A_24] : memref<19136512xf32, #tpu.memory_space<hbm>> -> memref<37376xf32, #tpu.memory_space<hbm>>
        tpu.enqueue_dma source(%arg8 : memref<37376xf32, #tpu.memory_space<vmem>>) target(%dma_start3A_31 : memref<37376xf32, #tpu.memory_space<hbm>>) target_semaphore(%run_scoped3A : memref<!tpu.dma_semaphore, #tpu.memory_space<semaphore_mem>>)
        %dma_wait3A = tpu.memref_slice %arg5[%mul3A_24] : memref<19136512xf32, #tpu.memory_space<hbm>> -> memref<37376xf32, #tpu.memory_space<hbm>>
        %dma_wait3A_32 = tpu.memref_slice %arg5[%mul3A_24] : memref<19136512xf32, #tpu.memory_space<hbm>> -> memref<37376xf32, #tpu.memory_space<hbm>>
        tpu.wait_dma2 semaphore(%run_scoped3A : memref<!tpu.dma_semaphore, #tpu.memory_space<semaphore_mem>>) src(%arg8 : memref<37376xf32, #tpu.memory_space<vmem>>) dst(%dma_wait3A_32 : memref<37376xf32, #tpu.memory_space<hbm>>)
        tpu.yield
      }) : () -> ()
      %scan3A_25 = arith.constant 0 : i32
      %scan3A_26 = arith.constant 0 : i32
      %scan3A_27 = arith.constant 8 : i32
      %scan3A_28 = arith.addi %scan3A_26, %scan3A_27 : i32
      %scan3A_29 = arith.constant 1 : i32
      scf.for %scan3A_31 = %scan3A_26 to %scan3A_28 step %scan3A_29  : i32 {
        %mul3A_32 = arith.constant 4672 : i32
        %mul3A_33 = arith.muli %scan3A_31, %mul3A_32 : i32
        %mul3A_34 = arith.constant 8 : i32
        %mul3A_35 = arith.muli %scan3A_13, %mul3A_34 : i32
        %add3A_36 = arith.addi %mul3A_35, %scan3A_31 : i32
        %mul3A_37 = arith.constant 64 : i32
        %mul3A_38 = arith.muli %add3A_36, %mul3A_37 : i32
        %add3A_39 = arith.constant 0 : i32
        %add3A_40 = arith.addi %mul3A_38, %add3A_39 : i32
        %get3A = arith.index_cast %add3A_40 : i32 to index
        %get3A_41 = tpu.vector_load %arg6[%get3A] {strides = array<i32>} : memref<8192xi32, #tpu.memory_space<vmem>>, vector<16xi32>,
        %add3A_42 = vector.broadcast %mul3A_33 : i32 to vector<16xi32>
        %add3A_43 = arith.addi %get3A_41, %add3A_42 : vector<16xi32>
        tpu.vector_store_idx %arg8[%add3A_43], %broadcast_in_dim3A_7 : memref<37376xf32, #tpu.memory_space<vmem>>[vector<16xi32>], vector<16xf32>,
        %add3A_44 = arith.constant 16 : i32
        %add3A_45 = arith.addi %mul3A_38, %add3A_44 : i32
        %get3A_46 = arith.index_cast %add3A_45 : i32 to index
        %get3A_47 = tpu.vector_load %arg6[%get3A_46] {strides = array<i32>} : memref<8192xi32, #tpu.memory_space<vmem>>, vector<16xi32>,
        %add3A_48 = vector.broadcast %mul3A_33 : i32 to vector<16xi32>
        %add3A_49 = arith.addi %get3A_47, %add3A_48 : vector<16xi32>
        tpu.vector_store_idx %arg8[%add3A_49], %broadcast_in_dim3A_7 : memref<37376xf32, #tpu.memory_space<vmem>>[vector<16xi32>], vector<16xf32>,
        %add3A_50 = arith.constant 32 : i32
        %add3A_51 = arith.addi %mul3A_38, %add3A_50 : i32
        %get3A_52 = arith.index_cast %add3A_51 : i32 to index
        %get3A_53 = tpu.vector_load %arg6[%get3A_52] {strides = array<i32>} : memref<8192xi32, #tpu.memory_space<vmem>>, vector<16xi32>,
        %add3A_54 = vector.broadcast %mul3A_33 : i32 to vector<16xi32>
        %add3A_55 = arith.addi %get3A_53, %add3A_54 : vector<16xi32>
        tpu.vector_store_idx %arg8[%add3A_55], %broadcast_in_dim3A_7 : memref<37376xf32, #tpu.memory_space<vmem>>[vector<16xi32>], vector<16xf32>,
        %add3A_56 = arith.constant 48 : i32
        %add3A_57 = arith.addi %mul3A_38, %add3A_56 : i32
        %get3A_58 = arith.index_cast %add3A_57 : i32 to index
        %get3A_59 = tpu.vector_load %arg6[%get3A_58] {strides = array<i32>} : memref<8192xi32, #tpu.memory_space<vmem>>, vector<16xi32>,
        %add3A_60 = vector.broadcast %mul3A_33 : i32 to vector<16xi32>
        %add3A_61 = arith.addi %get3A_59, %add3A_60 : vector<16xi32>
        tpu.vector_store_idx %arg8[%add3A_61], %broadcast_in_dim3A_7 : memref<37376xf32, #tpu.memory_space<vmem>>[vector<16xi32>], vector<16xf32>,
      }
      %scan3A_30 = arith.constant 8 : i32
    }
    %scan3A_12 = arith.constant 16 : i32
    return
  }
}

module attributes {stable_mosaic.version = 14 : i64} {
  func.func @_probs_body(%arg0: i32, %arg1: memref<512x64xi32, #tpu.memory_space<vmem>>, %arg2: memref<512x64xf32, #tpu.memory_space<vmem>>, %arg3: memref<512x64xi32, #tpu.memory_space<vmem>>, %arg4: memref<512x64xf32, #tpu.memory_space<vmem>>) attributes {dimension_semantics = [#tpu.dimension_semantics<arbitrary>], iteration_bounds = array<i64: 8>, scalar_prefetch = 0 : i64, scratch_operands = 0 : i64, tpu.core_type = #tpu.core_type<tc>, window_params = [{transform_indices = @transform_0, window_bounds = array<i64: 512, 64>}, {transform_indices = @transform_1, window_bounds = array<i64: 512, 64>}, {transform_indices = @transform_2, window_bounds = array<i64: 512, 64>}, {transform_indices = @transform_3, window_bounds = array<i64: 512, 64>}]} {
    %get3A = arith.constant 0 : index
    %get3A_0 = arith.constant 0 : index
    %get3A_1 = vector.load %arg1[%get3A, %get3A_0] : memref<512x64xi32, #tpu.memory_space<vmem>>, vector<512x64xi32>
    %get3A_2 = arith.constant 0 : index
    %get3A_3 = arith.constant 0 : index
    %get3A_4 = vector.load %arg2[%get3A_2, %get3A_3] : memref<512x64xf32, #tpu.memory_space<vmem>>, vector<512x64xf32>
    %get3A_5 = arith.constant 0 : index
    %get3A_6 = arith.constant 0 : index
    %get3A_7 = vector.load %arg3[%get3A_5, %get3A_6] : memref<512x64xi32, #tpu.memory_space<vmem>>, vector<512x64xi32>
    %broadcast_in_dim3A = vector.shape_cast %get3A_1 : vector<512x64xi32> to vector<512x64x1xi32>
    %broadcast_in_dim3A_8 = vector.shape_cast %get3A_1 : vector<512x64xi32> to vector<512x1x64xi32>
    %eq3A = vector.broadcast %broadcast_in_dim3A : vector<512x64x1xi32> to vector<512x64x64xi32>
    %eq3A_9 = vector.broadcast %broadcast_in_dim3A_8 : vector<512x1x64xi32> to vector<512x64x64xi32>
    %eq3A_10 = arith.cmpi eq, %eq3A, %eq3A_9 : vector<512x64x64xi32>
    %broadcast_in_dim3A_11 = vector.shape_cast %get3A_7 : vector<512x64xi32> to vector<512x1x64xi32>
    %eq3A_12 = arith.constant 1 : i32
    %eq3A_13 = vector.broadcast %eq3A_12 : i32 to vector<512x1x64xi32>
    %eq3A_14 = arith.cmpi eq, %broadcast_in_dim3A_11, %eq3A_13 : vector<512x1x64xi32>
    %and3A = vector.broadcast %eq3A_14 : vector<512x1x64xi1> to vector<512x64x64xi1>
    %and3A_15 = arith.andi %eq3A_10, %and3A : vector<512x64x64xi1>
    %broadcast_in_dim3A_16 = vector.shape_cast %get3A_4 : vector<512x64xf32> to vector<512x1x64xf32>
    %jit3A = arith.constant -1.000000e+30 : f32
    %broadcast_in_dim3A_17 = vector.shape_cast %broadcast_in_dim3A_16 : vector<512x1x64xf32> to vector<512x1x64xf32>
    %broadcast_in_dim3A_18 = vector.broadcast %broadcast_in_dim3A_17 : vector<512x1x64xf32> to vector<512x64x64xf32>
    %broadcast_in_dim3A_19 = vector.broadcast %jit3A : f32 to vector<512x64x64xf32>
    %select_n3A = arith.select %and3A_15, %broadcast_in_dim3A_18, %broadcast_in_dim3A_19 : vector<512x64x64xi1>, vector<512x64x64xf32>
    %reduce_max3A = arith.constant dense<0xFF800000> : vector<512x64xf32>
    %reduce_max3A_20 = vector.multi_reduction <maximumf>, %select_n3A, %reduce_max3A [2] : vector<512x64x64xf32> to vector<512x64xf32>
    %eq3A_21 = arith.constant 1 : i32
    %eq3A_22 = vector.broadcast %eq3A_21 : i32 to vector<512x64xi32>
    %eq3A_23 = arith.cmpi eq, %get3A_7, %eq3A_22 : vector<512x64xi32>
    %jit3A_24 = arith.constant -1.000000e+30 : f32
    %broadcast_in_dim3A_25 = vector.broadcast %jit3A_24 : f32 to vector<512x64xf32>
    %select_n3A_26 = arith.select %eq3A_23, %get3A_4, %broadcast_in_dim3A_25 : vector<512x64xi1>, vector<512x64xf32>
    %reduce_max3A_27 = arith.constant dense<0xFF800000> : vector<512xf32>
    %reduce_max3A_28 = vector.multi_reduction <maximumf>, %select_n3A_26, %reduce_max3A_27 [1] : vector<512x64xf32> to vector<512xf32>
    %broadcast_in_dim3A_29 = vector.shape_cast %reduce_max3A_28 : vector<512xf32> to vector<512x1xf32>
    %sub3A = vector.broadcast %broadcast_in_dim3A_29 : vector<512x1xf32> to vector<512x64xf32>
    %sub3A_30 = arith.subf %get3A_4, %sub3A : vector<512x64xf32>
    %exp3A = math.exp %sub3A_30 : vector<512x64xf32>
    %jit3A_31 = arith.constant 0.000000e+00 : f32
    %broadcast_in_dim3A_32 = vector.broadcast %jit3A_31 : f32 to vector<512x64xf32>
    %select_n3A_33 = arith.select %eq3A_23, %exp3A, %broadcast_in_dim3A_32 : vector<512x64xi1>, vector<512x64xf32>
    %reduce_sum3A = arith.constant dense<0.000000e+00> : vector<512xf32>
    %reduce_sum3A_34 = vector.multi_reduction <add>, %select_n3A_33, %reduce_sum3A [1] : vector<512x64xf32> to vector<512xf32>
    %broadcast_in_dim3A_35 = vector.shape_cast %reduce_sum3A_34 : vector<512xf32> to vector<512x1xf32>
    %sub3A_36 = vector.broadcast %broadcast_in_dim3A_29 : vector<512x1xf32> to vector<512x64xf32>
    %sub3A_37 = arith.subf %reduce_max3A_20, %sub3A_36 : vector<512x64xf32>
    %exp3A_38 = math.exp %sub3A_37 : vector<512x64xf32>
    %div3A = vector.broadcast %broadcast_in_dim3A_35 : vector<512x1xf32> to vector<512x64xf32>
    %div3A_39 = arith.divf %exp3A_38, %div3A : vector<512x64xf32>
    %swap3A = arith.constant 0 : index
    %swap3A_40 = arith.constant 0 : index
    %swap3A_41 = vector.load %arg4[%swap3A, %swap3A_40] : memref<512x64xf32, #tpu.memory_space<vmem>>, vector<512x64xf32>
    tpu.vector_store %arg4[%swap3A, %swap3A_40], %div3A_39 {strides = array<i32>} : memref<512x64xf32, #tpu.memory_space<vmem>>, vector<512x64xf32>,
    return
  }
  func.func @transform_0(%arg0: i32) -> (i32, i32) {
    %c0_i32 = arith.constant 0 : i32
    %c0_i32_0 = arith.constant 0 : i32
    return %arg0, %c0_i32 : i32, i32
  }
  func.func @transform_1(%arg0: i32) -> (i32, i32) {
    %c0_i32 = arith.constant 0 : i32
    %c0_i32_0 = arith.constant 0 : i32
    return %arg0, %c0_i32 : i32, i32
  }
  func.func @transform_2(%arg0: i32) -> (i32, i32) {
    %c0_i32 = arith.constant 0 : i32
    %c0_i32_0 = arith.constant 0 : i32
    return %arg0, %c0_i32 : i32, i32
  }
  func.func @transform_3(%arg0: i32) -> (i32, i32) {
    %c0_i32 = arith.constant 0 : i32
    %c0_i32_0 = arith.constant 0 : i32
    return %arg0, %c0_i32 : i32, i32
  }
}

</mosaic_0001>

<sc_bundles>
// kernel: kernel.5.cloned.1.call-start
scs
__scs_entry_jumppad:
0x0: {  	(pc) =	sbr.rel $0x88, $3  }
0x1: {  	(tag) =	ssettag $0x0;
	lr =	simm.s32 $0x1  }
0x2: {  	[smem:$0x3F9F] =	sst lr;
	_ =	strace $0xD0000000  }
0x3: {  	_ = 	snop  }
0x4: {  	_ = 	snop  }
0x5: {  	_ = 	snop  }
0x6: {  	_ = 	snop  }
0x7: {  	_ = 	snop  }
__scs_overlays_trampoline_lowered:
0x8: {  	[smem:$0x3FAE] =	sst s0  }
0x9: {  	[smem:$0x3FAF] =	sst s1  }
0xa: {  	[smem:$0x3FB0] =	sst s2  }
0xb: {  	[smem:$0x3FB1] =	sst s3  }
0xc: {  	[smem:$0x3FB2] =	sst s4  }
0xd: {  	[smem:$0x3FB3] =	sst s5  }
0xe: {  	[smem:$0x3FB4] =	sst s6  }
0xf: {  	[smem:$0x3FB5] =	sst s7  }
0x10: {  	[smem:$0x3FB6] =	sst s8  }
0x11: {  	[smem:$0x3FB7] =	sst s9;
	s0 =	simm.s32 @!p0 $0x0  }
0x12: {  	s1 =	sld [smem:$0x3F9D];
	s0 =	simm.s32 @p0 $0x1  }
0x13: {  	[smem:$0x3FB8] =	sst s0;
	s0 =	simm.s32 @!p1 $0x0  }
0x14: {  	s2 =	sld [smem:$0x3F9C];
	s0 =	simm.s32 @p1 $0x1  }
0x15: {  	[smem:$0x3FB9] =	sst s0;
	s0 =	simm.s32 @!p2 $0x0  }
0x16: {  	s3 =	sld [smem:$0x3FDB];
	s0 =	simm.s32 @p2 $0x1  }
0x17: {  	s4 =	simm.s32 $0x1BF5;
	[smem:$0x3FBB] =	sst s0  }
0x18: {  	s0 =	sld [smem:$0x3F9E];
	_ =	swait.ge [sflag:s4], $0x0  }
0x19: {  	s7 =	sld [smem:$0x3F9F]  }
0x1a: {  	s8 =	sadd.s32 $0xFFFFE003, lr  }
0x1b: {  	s9 =	sadd.s32 $0xFFFFFEF7, lr;
	s5 =	simm.s32 $0xFFFFFFFF;
	p2 =	slt.u32 s8, $0xFFFFF086  }
0x1c: {  	p1 =	slt.u32 s9, $0xF7A;
	s5 =	simm.s32 @!p2 $0x0  }
0x1d: {  	s5 =	simm.s32 @p1 $0x1;
	p0 =	seq.s32 s7, s2  }
0x1e: {  	s7 =	smul.u32 @!p0 $0xF7A, s2;
	p2 =	seq.s32 @!p0 s5, $0x0  }
0x1f: {  	s9 =	smul.u32 $0xF7A, s1;
	s8 =	simm.s32 @!p0 $0x1BF5;
	p2 =	por !p2, p0  }
0x20: {  	[sflag:s8] =	ssyncset.s32 @!p0 $0xFFFFF086;
	s6 =	sadd.s32 @!p0 s3, s7;
	s7 =	simm.s32 @!p0 $0x108  }
0x21: {  	s3 =	sadd.s32 s3, s9;
	s6 =	sadd.s32 @!p0 $0x88, s6;
	s7 =	simm.s32 @p2 $0x1082  }
0x22: {  	[simem:s7], [sflag:s8] =	dma.local @!p0 [hbm:s6], $0xF7A  }
0x23: {  	s9 =	sor.u32 $0xD0000000, s2;
	s6 =	simm.s32 $0x108;
	_ =	swait.ge @!p0 [sflag:s8], $0x0  }
0x24: {  	s3 =	sadd.s32 $0x88, s3;
	s6 =	simm.s32 @!p1 $0x1082;
	[sflag:s4] =	ssyncset.s32 $0xFFFFF086  }
0x25: {  	[simem:s6], [sflag:s4] =	dma.local [hbm:s3], $0xF7A  }
0x26: {  	[smem:$0x3F9F] =	sst s1;
	(tag) =	ssettag s2;
	_ =	strace s9  }
0x27: {  	s1 =	sld [smem:$0x3FAF]  }
0x28: {  	s2 =	sld [smem:$0x3FB0]  }
0x29: {  	s4 =	sld [smem:$0x3FB2]  }
0x2a: {  	p0 =	seq.s32 s5, $0x0;
	s5 =	sld [smem:$0x3FB3]  }
0x2b: {  	s6 =	sld [smem:$0x3FB4]  }
0x2c: {  	s7 =	sld [smem:$0x3FB5]  }
0x2d: {  	s3 =	simm.s32 $0x108;
	s8 =	sld [smem:$0x3FB6]  }
0x2e: {  	s3 =	simm.s32 @!p0 $0x1082;
	s9 =	sld [smem:$0x3FB7]  }
0x2f: {  	lr =	sadd.s32 s0, s3;
	s0 =	sld [smem:$0x3FAE]  }
0x30: {  	s3 =	sld [smem:$0x3FB1]  }
0x31: {  	[smem:$0x3FBA] =	sst s10  }
0x32: {  	s10 =	sld [smem:$0x3FB8];
	_ =	sdelay $0x3  }
0x33: {  	p0 =	seq.s32 s10, $0x1;
	s10 =	sld [smem:$0x3FBA];
	_ =	sdelay $0x3  }
0x34: {  	[smem:$0x3FBA] =	sst s10  }
0x35: {  	s10 =	sld [smem:$0x3FB9];
	_ =	sdelay $0x3  }
0x36: {  	p1 =	seq.s32 s10, $0x1;
	s10 =	sld [smem:$0x3FBA];
	_ =	sdelay $0x3  }
0x37: {  	[smem:$0x3FBA] =	sst s10  }
0x38: {  	s10 =	sld [smem:$0x3FBB]  }
0x39: {  	_ = 	snop;
	(pc) =	sbr.ind lr, $3  }
0x3a: {  	_ = 	snop  }
0x3b: {  	_ = 	snop  }
0x3c: {  	p2 =	seq.s32 s10, $0x1;
	s10 =	sld [smem:$0x3FBA]  }
0x3d: {  	_ =	shalt  }
0x3e: {  	_ =	shalt  }
0x3f: {  	_ =	shalt  }
0x40: {  	_ =	shalt  }
0x41: {  	_ =	shalt  }
0x42: {  	_ =	shalt  }
0x43: {  	_ =	shalt  }
0x44: {  	_ =	shalt  }
0x45: {  	_ =	shalt  }
0x46: {  	_ =	shalt  }
0x47: {  	_ =	shalt  }
0x48: {  	_ =	shalt  }
0x49: {  	_ =	shalt  }
0x4a: {  	_ =	shalt  }
0x4b: {  	_ =	shalt  }
0x4c: {  	_ =	shalt  }
0x4d: {  	_ =	shalt  }
0x4e: {  	_ =	shalt  }
0x4f: {  	_ =	shalt  }
0x50: {  	_ =	shalt  }
0x51: {  	_ =	shalt  }
0x52: {  	_ =	shalt  }
0x53: {  	_ =	shalt  }
0x54: {  	_ =	shalt  }
0x55: {  	_ =	shalt  }
0x56: {  	_ =	shalt  }
0x57: {  	_ =	shalt  }
0x58: {  	_ =	shalt  }
0x59: {  	_ =	shalt  }
0x5a: {  	_ =	shalt  }
0x5b: {  	_ =	shalt  }
0x5c: {  	_ =	shalt  }
0x5d: {  	_ =	shalt  }
0x5e: {  	_ =	shalt  }
0x5f: {  	_ =	shalt  }
0x60: {  	_ =	shalt  }
0x61: {  	_ =	shalt  }
0x62: {  	_ =	shalt  }
0x63: {  	_ =	shalt  }
0x64: {  	_ =	shalt  }
0x65: {  	_ =	shalt  }
0x66: {  	_ =	shalt  }
0x67: {  	_ =	shalt  }
0x68: {  	_ =	shalt  }
0x69: {  	_ =	shalt  }
0x6a: {  	_ =	shalt  }
0x6b: {  	_ =	shalt  }
0x6c: {  	_ =	shalt  }
0x6d: {  	_ =	shalt  }
0x6e: {  	_ =	shalt  }
0x6f: {  	_ =	shalt  }
0x70: {  	_ =	shalt  }
0x71: {  	_ =	shalt  }
0x72: {  	_ =	shalt  }
0x73: {  	_ =	shalt  }
0x74: {  	_ =	shalt  }
0x75: {  	_ =	shalt  }
0x76: {  	_ =	shalt  }
0x77: {  	_ =	shalt  }
0x78: {  	_ =	shalt  }
0x79: {  	_ =	shalt  }
0x7a: {  	_ =	shalt  }
0x7b: {  	_ =	shalt  }
0x7c: {  	_ =	shalt  }
0x7d: {  	_ =	shalt  }
0x7e: {  	_ =	shalt  }
0x7f: {  	_ =	shalt  }
0x80: {  	_ =	shalt  }
0x81: {  	_ =	shalt  }
0x82: {  	_ =	shalt  }
0x83: {  	_ =	shalt  }
0x84: {  	_ =	shalt  }
0x85: {  	_ =	shalt  }
0x86: {  	_ =	shalt  }
0x87: {  	_ =	shalt  }
.Lfunc_end0:
.L_simem_size_0:
called_computation.1_lowered:
.L_overlay_start_0:
0x88: {  	s2 =	sld [smem:$0x3FD9]  }
0x89: {  	s3 =	sld [smem:$0x3FFE];
	_ =	sdelay $0x1  }
0x8a: {  	s1 =	srdreg.scid  }
0x8b: {  	s0 =	sand.u32 $0x1, s1  }
0x8c: {  	s17 =	sshll.u32 s0, $0xA;
	s2 =	sadd.s32 s3, s2  }
0x8d: {  	s2 =	sadd.s32 s2, s17  }
0x8e: {  	[smem:$0x3FC6] =	sst s2  }
0x8f: {  	_ = 	snop  }
0x90: {  	s2 =	sld [smem:$0x3FD0];
	(tm) =	ssettm $0x1  }
0x91: {  	s18 =	sld [smem:$0x3FFB];
	_ =	sdelay $0x3  }
0x92: {  	_ =	strace s18  }
0x93: {  	s3 =	sld [smem:$0x3FFC];
	_ =	sdelay $0x3  }
0x94: {  	_ =	strace s3  }
0x95: {  	s3 =	sld [smem:$0x3FFD];
	_ =	sdelay $0x3  }
0x96: {  	_ =	strace s3  }
0x97: {  	_ =	strace $0x8FFFFFFF  }
0x98: {  	s19 =	sld [smem:$0x3FDB];
	_ =	sdelay $0x1  }
0x99: {  	s4 =	simm.s32 $_scs_section_size  }
0x9a: {  	s5 =	simm.s32 $_size__tile_overlayer_lowered;
	s6 =	simm.s32 $_tile_overlayer_lowered  }
0x9b: {  	s22 =	simm.s32 $0x1BFF;
	s21 =	sshll.u32 s6, $0x1;
	s3 =	sadd.s32 s4, s19  }
0x9c: {  	s7 =	simm.s32 $0x0;
	s20 =	sshll.u32 s5, $0x1;
	s5 =	sadd.s32 s21, s3  }
0x9d: {  	[timem:s7], [sflag:s22] =	dma.local [hbm:s5], s20  }
0x9e: {  	_ =	swait.ge [sflag:s22], s20  }
0x9f: {  	s4 =	ssub.s32 $0x0, s20;
	[sflag:s22] =	ssyncset.done $0x0  }
0xa0: {  	[sflag:s22] =	ssyncadd.s32 s4;
	_ =	sdelay $0x1  }
0xa1: {  	s23 =	simm.s32 $0x1B8B  }
0xa2: {  	_ =	swait.ge [sflag:s23], $0x1  }
0xa3: {  	[sflag:s23] =	ssyncset.done $0x0  }
0xa4: {  	s25 =	simm.s32 $0x1B8E;
	s24 =	sld [smem:$0x3FFE];
	[sflag:s23] =	ssyncadd.s32 $0xFFFFFFFF  }
0xa5: {  	s26 =	simm.s32 $execute0_lowered;
	[smem:$0x3FD2] =	sst s25  }
0xa6: {  	s5 =	sshll.u32 s26, $0x1;
	_ =	strace $0x80000046;
	[dreg:$0x1] =	wrdreg $0xFFFFFFFF  }
0xa7: {  	s28 =	simm.s32 $_size_execute0_lowered;
	s3 =	sadd.s32 s3, s5;
	[dreg:$0x0] =	wrdreg $0x0  }
0xa8: {  	s5 =	sshll.u32 s28, $0x1;
	[dreg:$0x2] =	wrdreg s3  }
0xa9: {  	[dreg:$0x3] =	wrdreg s5  }
0xaa: {  	[dreg:$0x4] =	wrdreg $0xC0  }
0xab: {  	_ =	task [dreg:s7], $0x5FFFF  }
0xac: {  	[dreg:$0x1] =	wrdreg $0xFFFFFFFF  }
0xad: {  	[dreg:$0x0] =	wrdreg $0x60  }
0xae: {  	[dreg:$0x2] =	wrdreg s2  }
0xaf: {  	[dreg:$0x3] =	wrdreg s24  }
0xb0: {  	[dreg:$0x4] =	wrdreg $0x9  }
0xb1: {  	_ =	task.clear_ibuf [dreg:s7], $0x5FFFF;
	_ =	strace $0x90000046  }
0xb2: {  	s29 =	simm.s32 $0x9;
	_ =	strace $0x80000048  }
0xb3: {  	_ =	swait.ge [sflag:s29], $0x1  }
0xb4: {  	[sflag:s29] =	ssyncadd.s32 $0xFFFFFFFF  }
0xb5: {  	_ =	strace $0x90000048  }
0xb6: {  	_ =	sfence  }
0xb7: {  	s30 =	sld [smem:$0x0];
	_ =	sdelay $0x2  }
0xb8: {  	s31 =	sshll.u32 s1, $0xD;
	s1 =	sshrl.u32 s1, $0x2  }
0xb9: {  	s3 =	sand.u32 $0x4000, s31;
	s1 =	sadd.s32 s1, s30  }
0xba: {  	s0 =	sor.u32 s3, s0;
	s1 =	sshll.u32 s1, $0x11  }
0xbb: {  	s0 =	sor.u32 s1, s0  }
0xbc: {  	s0 =	sadd.s32 $0x8F2B, s0  }
0xbd: {  	[sflag:s0] =	ssyncadd.remote.s32 $0x1  }
0xbe: {  	_ =	sfence.sel $0xFFFF  }
0xbf: {  	[dreg:$0x0] =	wrdreg $0xFFFFFFFF;
	(pc) =	sbr.abs _section_cstart, $3  }
0xc0: {  	[dreg:$0x1] =	wrdreg $0xFFFFFFFF  }
0xc1: {  	_ =	task.clear_ibuf [dreg:s7], $0x2FFFF;
	_ =	strace $0x9FFFFFFF  }
0xc2: {  	(tm) =	ssettm $0x7FFFFFFF  }
0xc3: {  	_ =	shalt  }
tec
execute0_lowered:
.L_overlay_start_1:
0x0: {  	(tag) =	ssettag $0x1  }
0x1: {  	s2 =	rddreg [dreg:$0x0]  }
0x2: {  	s5 =	rddreg [dreg:$0x1];
	s3 =	srdreg.scid  }
0x3: {  	s0 =	rddreg [dreg:$0x2];
	s1 =	stileid.u32;
	s10 =	simm.s32 $0x0  }
0x4: {  	s4 =	sand.u32 $0x1, s3;
	s3 =	simm.s32 $0x0;
	s6 =	sshll.u32 s1, $0xE  }
0x5: {  	s7 =	sshll.u32 s4, $0xD;
	[smem:$0x7FF] =	sst s3;
	s31 =	ssub.s32 $0x2, s4  }
0x6: {  	s4 =	sadd.s32 $0xA00, s5;
	s8 =	sor.u32 s7, s6;
	s9 =	sshrl.u32 s31, $0x1  }
0x7: {  	_ =	strace $0x80000047;
	s7 =	sshrl.u32 s8, $0x3;
	s6 =	ssub.s32 s31, s9  }
0x8: {  	v0 =	vmov s8;
	s8 =	simm.s32 $0x2000;
	s9 =	simm.s32 $0x4000;
	s5 =	sadd.s32 s7, s5  }
0x9: {  	s6 =	smax.u32 s6, $0x1;
	s7 =	simm.s32 $0x1;
	s5 =	sadd.s32 $0x8A00, s5  }
.LBB2_1:
0xa: {  	s11 =	simm.s32 $0x0  }
.LBB2_2:
0xb: {  	s13 =	sshll.u32 s11, $0xA  }
0xc: {  	s12 =	simm.s32 $0x0;
	s14 =	sadd.s32 s2, s13  }
0xd: {  	[tilespmem:s12], [sflag:$0x1] =	stream.linear.gather [hbm4b:s14+s12], $0x2000, $0x38;
	[tilespmem:$0x6000] =	vst v63  }
0xe: {  	_ =	swait.ge [sflag:s7], $0x2000  }
0xf: {  	[sflag:s7] =	ssyncset.done $0x0  }
0x10: {  	s13 =	sadd.s32 s4, s13;
	[sflag:s7] =	ssyncadd.s32 $0xFFFFE000  }
0x11: {  	[tilespmem:s8], [sflag:$0x1] =	stream.linear.gather [hbm4b:s13+s12], $0x2000, $0x38;
	[tilespmem:$0x6000] =	vst v63  }
0x12: {  	_ =	swait.ge [sflag:s7], $0x2000  }
0x13: {  	[sflag:s7] =	ssyncset.done $0x0  }
0x14: {  	[sflag:s7] =	ssyncadd.s32 $0xFFFFE000  }
.LBB2_3:
0x15: {  	s13 =	sshra.s32 s12, $0x2  }
0x16: {  	v1 =	vld [tilespmem:s13+$0x0];
	_ =	sdelay $0x4  }
0x17: {  	v1 =	vsub.s32 v1, v0  }
0x18: {  	vm0 =	vlt.u32 v1, $0x2000  }
0x19: {  	v2 =	vld [tilespmem:s13+$0x2000];
	v1 =	vnsel vm0, $0x0, v1;
	_ =	sdelay $0x4  }
0x1a: {  	[tilespmem:v1+s9+$0x0] =	vst.idx.msk vm0, v2  }
0x1b: {  	v1 =	vld [tilespmem:s13+$0x10];
	_ =	sdelay $0x4  }
0x1c: {  	v1 =	vsub.s32 v1, v0  }
0x1d: {  	vm13 =	vlt.u32 v1, $0x2000  }
0x1e: {  	v2 =	vld [tilespmem:s13+$0x2010];
	v1 =	vnsel vm13, $0x0, v1;
	_ =	sdelay $0x4  }
0x1f: {  	[tilespmem:v1+s9+$0x0] =	vst.idx.msk vm13, v2  }
0x20: {  	v1 =	vld [tilespmem:s13+$0x20];
	_ =	sdelay $0x4  }
0x21: {  	v1 =	vsub.s32 v1, v0  }
0x22: {  	vm14 =	vlt.u32 v1, $0x2000  }
0x23: {  	v2 =	vld [tilespmem:s13+$0x2020];
	v1 =	vnsel vm14, $0x0, v1;
	_ =	sdelay $0x4  }
0x24: {  	[tilespmem:v1+s9+$0x0] =	vst.idx.msk vm14, v2  }
0x25: {  	v1 =	vld [tilespmem:s13+$0x30];
	_ =	sdelay $0x4  }
0x26: {  	v1 =	vsub.s32 v1, v0  }
0x27: {  	vm15 =	vlt.u32 v1, $0x2000  }
0x28: {  	p0 =	sne.s32 s12, $0x7F00;
	v2 =	vld [tilespmem:s13+$0x2030];
	v1 =	vnsel vm15, $0x0, v1  }
.Ltmp0:
0x29: {  	_ = 	snop;
	(pc) =	sbr.rel @p0 .LBB2_3-.Ltmp0, $2  }
0x2a: {  	_ =	sdelay $0x2  }
0x2b: {  	s12 =	sadd.s32 $0x100, s12;
	[tilespmem:v1+s9+$0x0] =	vst.idx.msk vm15, v2  }
0x2c: {  	s11 =	sadd.s32 $0x1, s11  }
0x2d: {  	p0 =	sne.s32 s11, $0x20  }
.Ltmp1:
0x2e: {  	_ = 	snop;
	(pc) =	sbr.rel @p0 .LBB2_2-.Ltmp1, $1  }
0x2f: {  	_ =	sdelay $0x3  }
0x30: {  	s10 =	sadd.s32 $0x1, s10  }
0x31: {  	p0 =	sne.s32 s10, s6  }
.Ltmp2:
0x32: {  	_ = 	snop;
	(pc) =	sbr.rel @p0 .LBB2_1-.Ltmp2, $4  }
0x33: {  	[hbm4b:s5+s3] =	stream.linear.scatter [tilespmem:s9], [sflag:$0x1], $0x2000, $0x38;
	[tilespmem:$0x6000] =	vst v63  }
0x34: {  	_ =	swait.ge [sflag:s7], $0x2000  }
0x35: {  	[sflag:s7] =	ssyncset.done $0x0  }
0x36: {  	[sflag:s7] =	ssyncadd.s32 $0xFFFFE000  }
0x37: {  	_ =	sfence.sel $0x180000  }
0x38: {  	[bflag:$0x0] =	sbarrier.arrive $0xFFFF  }
0x39: {  	p0 =	sne.s32 s1, $0x0;
	_ =	strace $0x90000047  }
0x3a: {  	s0 =	sadd.s32 @!p0 $0x100000, s0;
	[bflag:$0x2] =	sbarrier.arrive $0xFFFF  }
0x3b: {  	[sflag:s0] =	ssyncadd.tile.s32 @!p0 $0x1;
	_ =	shalt  }
.Lfunc_end2:
_tile_overlayer_lowered:
.L_overlay_start_2:
0x3c: {  	(tag) =	ssettag $0x2  }
0x3d: {  	s0 =	rddreg [dreg:$0x0];
	s2 =	stileid.u32  }
0x3e: {  	s1 =	rddreg [dreg:$0x1];
	p0 =	sne.s32 s2, $0x0  }
0x3f: {  	s3 =	rddreg [dreg:$0x2];
	[bflag:$0x3] =	sbarrier.arrive $0xFFFF;
	s2 =	simm.s32 @!p0 $0x1C01  }
0x40: {  	[timem:s3], [sflag:s2] =	dma.local @!p0 [hbm:s0], s1  }
0x41: {  	s0 =	simm.s32 @!p0 $0x1  }
0x42: {  	_ =	swait.ge @!p0 [sflag:s0], s1  }
0x43: {  	s1 =	ssub.s32 @!p0 $0x0, s1;
	[sflag:s0] =	ssyncset.done @!p0 $0x0  }
0x44: {  	[sflag:s0] =	ssyncadd.s32 @!p0 s1  }
0x45: {  	[bflag:$0x3] =	sbarrier.arrive $0xFFFF  }
0x46: {  	_ =	shalt  }

// kernel: kernel.8.cloned.1.call-start
scs
__scs_entry_jumppad:
0x0: {  	(pc) =	sbr.rel $0x88, $3  }
0x1: {  	(tag) =	ssettag $0x0;
	lr =	simm.s32 $0x1  }
0x2: {  	[smem:$0x3F9F] =	sst lr;
	_ =	strace $0xD0000000  }
0x3: {  	_ = 	snop  }
0x4: {  	_ = 	snop  }
0x5: {  	_ = 	snop  }
0x6: {  	_ = 	snop  }
0x7: {  	_ = 	snop  }
__scs_overlays_trampoline_lowered:
0x8: {  	[smem:$0x3FAE] =	sst s0  }
0x9: {  	[smem:$0x3FAF] =	sst s1  }
0xa: {  	[smem:$0x3FB0] =	sst s2  }
0xb: {  	[smem:$0x3FB1] =	sst s3  }
0xc: {  	[smem:$0x3FB2] =	sst s4  }
0xd: {  	[smem:$0x3FB3] =	sst s5  }
0xe: {  	[smem:$0x3FB4] =	sst s6  }
0xf: {  	[smem:$0x3FB5] =	sst s7  }
0x10: {  	[smem:$0x3FB6] =	sst s8  }
0x11: {  	[smem:$0x3FB7] =	sst s9;
	s0 =	simm.s32 @!p0 $0x0  }
0x12: {  	s1 =	sld [smem:$0x3F9D];
	s0 =	simm.s32 @p0 $0x1  }
0x13: {  	[smem:$0x3FB8] =	sst s0;
	s0 =	simm.s32 @!p1 $0x0  }
0x14: {  	s2 =	sld [smem:$0x3F9C];
	s0 =	simm.s32 @p1 $0x1  }
0x15: {  	[smem:$0x3FB9] =	sst s0;
	s0 =	simm.s32 @!p2 $0x0  }
0x16: {  	s3 =	sld [smem:$0x3FDB];
	s0 =	simm.s32 @p2 $0x1  }
0x17: {  	s4 =	simm.s32 $0x1BF5;
	[smem:$0x3FBB] =	sst s0  }
0x18: {  	s0 =	sld [smem:$0x3F9E];
	_ =	swait.ge [sflag:s4], $0x0  }
0x19: {  	s7 =	sld [smem:$0x3F9F]  }
0x1a: {  	s8 =	sadd.s32 $0xFFFFE003, lr  }
0x1b: {  	s9 =	sadd.s32 $0xFFFFFEF7, lr;
	s5 =	simm.s32 $0xFFFFFFFF;
	p2 =	slt.u32 s8, $0xFFFFF086  }
0x1c: {  	p1 =	slt.u32 s9, $0xF7A;
	s5 =	simm.s32 @!p2 $0x0  }
0x1d: {  	s5 =	simm.s32 @p1 $0x1;
	p0 =	seq.s32 s7, s2  }
0x1e: {  	s7 =	smul.u32 @!p0 $0xF7A, s2;
	p2 =	seq.s32 @!p0 s5, $0x0  }
0x1f: {  	s9 =	smul.u32 $0xF7A, s1;
	s8 =	simm.s32 @!p0 $0x1BF5;
	p2 =	por !p2, p0  }
0x20: {  	[sflag:s8] =	ssyncset.s32 @!p0 $0xFFFFF086;
	s6 =	sadd.s32 @!p0 s3, s7;
	s7 =	simm.s32 @!p0 $0x108  }
0x21: {  	s3 =	sadd.s32 s3, s9;
	s6 =	sadd.s32 @!p0 $0x88, s6;
	s7 =	simm.s32 @p2 $0x1082  }
0x22: {  	[simem:s7], [sflag:s8] =	dma.local @!p0 [hbm:s6], $0xF7A  }
0x23: {  	s9 =	sor.u32 $0xD0000000, s2;
	s6 =	simm.s32 $0x108;
	_ =	swait.ge @!p0 [sflag:s8], $0x0  }
0x24: {  	s3 =	sadd.s32 $0x88, s3;
	s6 =	simm.s32 @!p1 $0x1082;
	[sflag:s4] =	ssyncset.s32 $0xFFFFF086  }
0x25: {  	[simem:s6], [sflag:s4] =	dma.local [hbm:s3], $0xF7A  }
0x26: {  	[smem:$0x3F9F] =	sst s1;
	(tag) =	ssettag s2;
	_ =	strace s9  }
0x27: {  	s1 =	sld [smem:$0x3FAF]  }
0x28: {  	s2 =	sld [smem:$0x3FB0]  }
0x29: {  	s4 =	sld [smem:$0x3FB2]  }
0x2a: {  	p0 =	seq.s32 s5, $0x0;
	s5 =	sld [smem:$0x3FB3]  }
0x2b: {  	s6 =	sld [smem:$0x3FB4]  }
0x2c: {  	s7 =	sld [smem:$0x3FB5]  }
0x2d: {  	s3 =	simm.s32 $0x108;
	s8 =	sld [smem:$0x3FB6]  }
0x2e: {  	s3 =	simm.s32 @!p0 $0x1082;
	s9 =	sld [smem:$0x3FB7]  }
0x2f: {  	lr =	sadd.s32 s0, s3;
	s0 =	sld [smem:$0x3FAE]  }
0x30: {  	s3 =	sld [smem:$0x3FB1]  }
0x31: {  	[smem:$0x3FBA] =	sst s10  }
0x32: {  	s10 =	sld [smem:$0x3FB8];
	_ =	sdelay $0x3  }
0x33: {  	p0 =	seq.s32 s10, $0x1;
	s10 =	sld [smem:$0x3FBA];
	_ =	sdelay $0x3  }
0x34: {  	[smem:$0x3FBA] =	sst s10  }
0x35: {  	s10 =	sld [smem:$0x3FB9];
	_ =	sdelay $0x3  }
0x36: {  	p1 =	seq.s32 s10, $0x1;
	s10 =	sld [smem:$0x3FBA];
	_ =	sdelay $0x3  }
0x37: {  	[smem:$0x3FBA] =	sst s10  }
0x38: {  	s10 =	sld [smem:$0x3FBB]  }
0x39: {  	_ = 	snop;
	(pc) =	sbr.ind lr, $3  }
0x3a: {  	_ = 	snop  }
0x3b: {  	_ = 	snop  }
0x3c: {  	p2 =	seq.s32 s10, $0x1;
	s10 =	sld [smem:$0x3FBA]  }
0x3d: {  	_ =	shalt  }
0x3e: {  	_ =	shalt  }
0x3f: {  	_ =	shalt  }
0x40: {  	_ =	shalt  }
0x41: {  	_ =	shalt  }
0x42: {  	_ =	shalt  }
0x43: {  	_ =	shalt  }
0x44: {  	_ =	shalt  }
0x45: {  	_ =	shalt  }
0x46: {  	_ =	shalt  }
0x47: {  	_ =	shalt  }
0x48: {  	_ =	shalt  }
0x49: {  	_ =	shalt  }
0x4a: {  	_ =	shalt  }
0x4b: {  	_ =	shalt  }
0x4c: {  	_ =	shalt  }
0x4d: {  	_ =	shalt  }
0x4e: {  	_ =	shalt  }
0x4f: {  	_ =	shalt  }
0x50: {  	_ =	shalt  }
0x51: {  	_ =	shalt  }
0x52: {  	_ =	shalt  }
0x53: {  	_ =	shalt  }
0x54: {  	_ =	shalt  }
0x55: {  	_ =	shalt  }
0x56: {  	_ =	shalt  }
0x57: {  	_ =	shalt  }
0x58: {  	_ =	shalt  }
0x59: {  	_ =	shalt  }
0x5a: {  	_ =	shalt  }
0x5b: {  	_ =	shalt  }
0x5c: {  	_ =	shalt  }
0x5d: {  	_ =	shalt  }
0x5e: {  	_ =	shalt  }
0x5f: {  	_ =	shalt  }
0x60: {  	_ =	shalt  }
0x61: {  	_ =	shalt  }
0x62: {  	_ =	shalt  }
0x63: {  	_ =	shalt  }
0x64: {  	_ =	shalt  }
0x65: {  	_ =	shalt  }
0x66: {  	_ =	shalt  }
0x67: {  	_ =	shalt  }
0x68: {  	_ =	shalt  }
0x69: {  	_ =	shalt  }
0x6a: {  	_ =	shalt  }
0x6b: {  	_ =	shalt  }
0x6c: {  	_ =	shalt  }
0x6d: {  	_ =	shalt  }
0x6e: {  	_ =	shalt  }
0x6f: {  	_ =	shalt  }
0x70: {  	_ =	shalt  }
0x71: {  	_ =	shalt  }
0x72: {  	_ =	shalt  }
0x73: {  	_ =	shalt  }
0x74: {  	_ =	shalt  }
0x75: {  	_ =	shalt  }
0x76: {  	_ =	shalt  }
0x77: {  	_ =	shalt  }
0x78: {  	_ =	shalt  }
0x79: {  	_ =	shalt  }
0x7a: {  	_ =	shalt  }
0x7b: {  	_ =	shalt  }
0x7c: {  	_ =	shalt  }
0x7d: {  	_ =	shalt  }
0x7e: {  	_ =	shalt  }
0x7f: {  	_ =	shalt  }
0x80: {  	_ =	shalt  }
0x81: {  	_ =	shalt  }
0x82: {  	_ =	shalt  }
0x83: {  	_ =	shalt  }
0x84: {  	_ =	shalt  }
0x85: {  	_ =	shalt  }
0x86: {  	_ =	shalt  }
0x87: {  	_ =	shalt  }
.Lfunc_end0:
.L_simem_size_0:
called_computation.2_lowered:
.L_overlay_start_0:
0x88: {  	s2 =	sld [smem:$0x3FD9]  }
0x89: {  	s3 =	sld [smem:$0x3FFE];
	_ =	sdelay $0x1  }
0x8a: {  	s1 =	srdreg.scid  }
0x8b: {  	s0 =	sand.u32 $0x1, s1  }
0x8c: {  	s17 =	sshll.u32 s0, $0xA;
	s2 =	sadd.s32 s3, s2  }
0x8d: {  	s2 =	sadd.s32 s2, s17  }
0x8e: {  	[smem:$0x3FC6] =	sst s2  }
0x8f: {  	_ = 	snop  }
0x90: {  	s2 =	sld [smem:$0x3FD0];
	(tm) =	ssettm $0x1  }
0x91: {  	s18 =	sld [smem:$0x3FFB];
	_ =	sdelay $0x3  }
0x92: {  	_ =	strace s18  }
0x93: {  	s3 =	sld [smem:$0x3FFC];
	_ =	sdelay $0x3  }
0x94: {  	_ =	strace s3  }
0x95: {  	s3 =	sld [smem:$0x3FFD];
	_ =	sdelay $0x3  }
0x96: {  	_ =	strace s3  }
0x97: {  	_ =	strace $0x8FFFFFFF  }
0x98: {  	s19 =	sld [smem:$0x3FDB];
	_ =	sdelay $0x1  }
0x99: {  	s4 =	simm.s32 $_scs_section_size  }
0x9a: {  	s5 =	simm.s32 $_size__tile_overlayer_lowered;
	s6 =	simm.s32 $_tile_overlayer_lowered  }
0x9b: {  	s22 =	simm.s32 $0x1BFF;
	s21 =	sshll.u32 s6, $0x1;
	s3 =	sadd.s32 s4, s19  }
0x9c: {  	s7 =	simm.s32 $0x0;
	s20 =	sshll.u32 s5, $0x1;
	s5 =	sadd.s32 s21, s3  }
0x9d: {  	[timem:s7], [sflag:s22] =	dma.local [hbm:s5], s20  }
0x9e: {  	_ =	swait.ge [sflag:s22], s20  }
0x9f: {  	s4 =	ssub.s32 $0x0, s20;
	[sflag:s22] =	ssyncset.done $0x0  }
0xa0: {  	[sflag:s22] =	ssyncadd.s32 s4;
	_ =	sdelay $0x1  }
0xa1: {  	s23 =	simm.s32 $0x1B8B  }
0xa2: {  	_ =	swait.ge [sflag:s23], $0x1  }
0xa3: {  	[sflag:s23] =	ssyncset.done $0x0  }
0xa4: {  	s25 =	simm.s32 $0x1B8E;
	s24 =	sld [smem:$0x3FFE];
	[sflag:s23] =	ssyncadd.s32 $0xFFFFFFFF  }
0xa5: {  	s26 =	simm.s32 $execute0_lowered;
	[smem:$0x3FD2] =	sst s25  }
0xa6: {  	s5 =	sshll.u32 s26, $0x1;
	_ =	strace $0x80000049;
	[dreg:$0x1] =	wrdreg $0xFFFFFFFF  }
0xa7: {  	s28 =	simm.s32 $_size_execute0_lowered;
	s3 =	sadd.s32 s3, s5;
	[dreg:$0x0] =	wrdreg $0x0  }
0xa8: {  	s5 =	sshll.u32 s28, $0x1;
	[dreg:$0x2] =	wrdreg s3  }
0xa9: {  	[dreg:$0x3] =	wrdreg s5  }
0xaa: {  	[dreg:$0x4] =	wrdreg $0xC0  }
0xab: {  	_ =	task [dreg:s7], $0x5FFFF  }
0xac: {  	[dreg:$0x1] =	wrdreg $0xFFFFFFFF  }
0xad: {  	[dreg:$0x0] =	wrdreg $0x60  }
0xae: {  	[dreg:$0x2] =	wrdreg s24  }
0xaf: {  	[dreg:$0x3] =	wrdreg s2  }
0xb0: {  	[dreg:$0x4] =	wrdreg $0x9  }
0xb1: {  	_ =	task.clear_ibuf [dreg:s7], $0x5FFFF;
	_ =	strace $0x90000049  }
0xb2: {  	s29 =	simm.s32 $0x9;
	_ =	strace $0x8000004B  }
0xb3: {  	_ =	swait.ge [sflag:s29], $0x1  }
0xb4: {  	[sflag:s29] =	ssyncadd.s32 $0xFFFFFFFF  }
0xb5: {  	_ =	strace $0x9000004B  }
0xb6: {  	_ =	sfence  }
0xb7: {  	s30 =	sld [smem:$0x0];
	_ =	sdelay $0x2  }
0xb8: {  	s31 =	sshll.u32 s1, $0xD;
	s1 =	sshrl.u32 s1, $0x2  }
0xb9: {  	s3 =	sand.u32 $0x4000, s31;
	s1 =	sadd.s32 s1, s30  }
0xba: {  	s0 =	sor.u32 s3, s0;
	s1 =	sshll.u32 s1, $0x11  }
0xbb: {  	s0 =	sor.u32 s1, s0  }
0xbc: {  	s0 =	sadd.s32 $0x8F2B, s0  }
0xbd: {  	[sflag:s0] =	ssyncadd.remote.s32 $0x1  }
0xbe: {  	_ =	sfence.sel $0xFFFF  }
0xbf: {  	[dreg:$0x0] =	wrdreg $0xFFFFFFFF;
	(pc) =	sbr.abs _section_cstart, $3  }
0xc0: {  	[dreg:$0x1] =	wrdreg $0xFFFFFFFF  }
0xc1: {  	_ =	task.clear_ibuf [dreg:s7], $0x2FFFF;
	_ =	strace $0x9FFFFFFF  }
0xc2: {  	(tm) =	ssettm $0x7FFFFFFF  }
0xc3: {  	_ =	shalt  }
tec
execute0_lowered:
.L_overlay_start_1:
0x0: {  	(tag) =	ssettag $0x1  }
0x1: {  	s4 =	rddreg [dreg:$0x0]  }
0x2: {  	s1 =	srdreg.scid;
	s0 =	stileid.u32  }
0x3: {  	s2 =	rddreg [dreg:$0x1];
	s3 =	simm.s32 $0x0;
	s9 =	simm.s32 $0x1  }
0x4: {  	s10 =	simm.s32 $0x4000;
	s5 =	sand.u32 $0x1, s1;
	s6 =	sshll.u32 s0, $0x1  }
0x5: {  	s11 =	simm.s32 $0x0;
	s1 =	rddreg [dreg:$0x2];
	s6 =	sor.u32 s5, s6  }
0x6: {  	[smem:$0x7FF] =	sst s3;
	s5 =	ssub.s32 $0x2, s5;
	s7 =	sshll.u32 s6, $0xA  }
0x7: {  	_ =	strace $0x8000004A;
	s8 =	sshrl.u32 s5, $0x1;
	s7 =	sadd.s32 s7, s4  }
0x8: {  	s4 =	sadd.s32 $0x8A00, s4;
	s8 =	ssub.s32 s5, s8;
	s5 =	sshll.u32 s6, $0x7  }
0x9: {  	v0 =	vimm.f32 $0.0e+00;
	s6 =	sadd.s32 $0x10A00, s7;
	s7 =	sadd.s32 $0xA00, s7;
	s8 =	smax.u32 s8, $0x1  }
.LBB2_1:
0xa: {  	[tilespmem:s3], [sflag:$0x1] =	stream.linear.gather [hbm4b:s6+s3], $0x2000, $0x38;
	[tilespmem:$0xD200] =	vst v63  }
0xb: {  	_ =	swait.ge [sflag:s9], $0x2000  }
0xc: {  	[sflag:s9] =	ssyncset.done $0x0  }
0xd: {  	s12 =	simm.s32 $0x2000;
	[sflag:s9] =	ssyncadd.s32 $0xFFFFE000  }
0xe: {  	[tilespmem:s12], [sflag:$0x1] =	stream.linear.gather [hbm4b:s7+s3], $0x2000, $0x38;
	[tilespmem:$0xD200] =	vst v63  }
0xf: {  	_ =	swait.ge [sflag:s9], $0x2000  }
0x10: {  	[sflag:s9] =	ssyncset.done $0x0  }
0x11: {  	[sflag:s9] =	ssyncadd.s32 $0xFFFFE000  }
0x12: {  	[tilespmem:s10], [sflag:$0x1] =	stream.linear.gather [hbm4b:s4+s3], $0x9200, $0x38;
	[tilespmem:$0xD200] =	vst v63  }
0x13: {  	_ =	swait.ge [sflag:s9], $0x9200  }
0x14: {  	s13 =	simm.s32 $0x20;
	s14 =	simm.s32 $0x0;
	[sflag:s9] =	ssyncset.done $0x0  }
0x15: {  	s15 =	simm.s32 $0x0;
	s16 =	simm.s32 $0x0;
	[sflag:s9] =	ssyncadd.s32 $0xFFFF6E00  }
.LBB2_2:
0x16: {  	s17 =	simm.s32 $0x0  }
0x17: {  	s18 =	smov.u32 s14;
	s19 =	smov.u32 s12;
	s20 =	simm.s32 $0x0  }
.LBB2_3:
0x18: {  	v1 =	vld [tilespmem:s18+$0x0];
	_ =	sdelay $0x4  }
0x19: {  	v2 =	vld [tilespmem:s19+$0x0];
	v1 =	vadd.s32 s20, v1;
	_ =	sdelay $0x2  }
0x1a: {  	s21 =	sadd.s32 s17, s15  }
0x1b: {  	s22 =	sand.u32 $0x40, s17;
	s21 =	sand.u32 $0x1F80, s21  }
0x1c: {  	s21 =	sor.u32 s22, s21;
	[tilespmem:v1+s10+$0x0] =	vst.idx.msk $0xffff, v2  }
0x1d: {  	v1 =	vld [tilespmem:s21+$0x10];
	_ =	sdelay $0x4  }
0x1e: {  	v2 =	vld [tilespmem:s21+$0x2010];
	v1 =	vadd.s32 s20, v1;
	_ =	sdelay $0x4  }
0x1f: {  	[tilespmem:v1+s10+$0x0] =	vst.idx.msk $0xffff, v2  }
0x20: {  	v1 =	vld [tilespmem:s21+$0x20];
	_ =	sdelay $0x4  }
0x21: {  	v2 =	vld [tilespmem:s21+$0x2020];
	v1 =	vadd.s32 s20, v1;
	_ =	sdelay $0x4  }
0x22: {  	[tilespmem:v1+s10+$0x0] =	vst.idx.msk $0xffff, v2  }
0x23: {  	v1 =	vld [tilespmem:s21+$0x30];
	_ =	sdelay $0x4  }
0x24: {  	p0 =	sne.s32 s20, $0x7FC0;
	v2 =	vld [tilespmem:s21+$0x2030];
	v1 =	vadd.s32 s20, v1  }
.Ltmp0:
0x25: {  	_ = 	snop;
	(pc) =	sbr.rel @p0 .LBB2_3-.Ltmp0, $3  }
0x26: {  	_ =	sdelay $0x1  }
0x27: {  	s17 =	sadd.s32 $0x40, s17  }
0x28: {  	s19 =	sadd.s32 $0x40, s19;
	s18 =	sadd.s32 $0x40, s18;
	s20 =	sadd.s32 $0x1240, s20;
	[tilespmem:v1+s10+$0x0] =	vst.idx.msk $0xffff, v2  }
0x29: {  	s17 =	sshll.u32 s16, $0x3  }
0x2a: {  	s17 =	sadd.s32 s5, s17  }
0x2b: {  	s17 =	smul.u32 $0x248, s17;
	_ =	sdelay $0x1  }
0x2c: {  	s18 =	sadd.s32 s2, s17;
	s17 =	simm.s32 $0x0  }
0x2d: {  	[hbm4b:s18+s17] =	stream.linear.scatter [tilespmem:s10], [sflag:$0x1], $0x9200, $0x38;
	[tilespmem:$0xD200] =	vst v63  }
0x2e: {  	_ =	swait.ge [sflag:s9], $0x9200  }
0x2f: {  	[sflag:s9] =	ssyncset.done $0x0  }
0x30: {  	s18 =	smov.u32 s13;
	[sflag:s9] =	ssyncadd.s32 $0xFFFF6E00  }
.LBB2_5:
0x31: {  	v1 =	vld [tilespmem:s18+$0xFFFFFFE0];
	_ =	sdelay $0x4  }
0x32: {  	v1 =	vadd.s32 s17, v1;
	_ =	sdelay $0x4  }
0x33: {  	[tilespmem:v1+s10+$0x0] =	vst.idx.msk $0xffff, v0  }
0x34: {  	v1 =	vld [tilespmem:s18+$0xFFFFFFF0];
	_ =	sdelay $0x4  }
0x35: {  	v1 =	vadd.s32 s17, v1;
	_ =	sdelay $0x4  }
0x36: {  	[tilespmem:v1+s10+$0x0] =	vst.idx.msk $0xffff, v0  }
0x37: {  	v1 =	vld [tilespmem:s18+$0x0];
	_ =	sdelay $0x4  }
0x38: {  	v1 =	vadd.s32 s17, v1;
	_ =	sdelay $0x4  }
0x39: {  	[tilespmem:v1+s10+$0x0] =	vst.idx.msk $0xffff, v0  }
0x3a: {  	v1 =	vld [tilespmem:s18+$0x10];
	_ =	sdelay $0x4  }
0x3b: {  	p0 =	sne.s32 s17, $0x7FC0;
	v1 =	vadd.s32 s17, v1  }
.Ltmp1:
0x3c: {  	_ = 	snop;
	(pc) =	sbr.rel @p0 .LBB2_5-.Ltmp1, $2  }
0x3d: {  	_ =	sdelay $0x2  }
0x3e: {  	s18 =	sadd.s32 $0x40, s18;
	s17 =	sadd.s32 $0x1240, s17;
	[tilespmem:v1+s10+$0x0] =	vst.idx.msk $0xffff, v0  }
0x3f: {  	s16 =	sadd.s32 $0x1, s16  }
0x40: {  	p0 =	sne.s32 s16, $0x10  }
.Ltmp2:
0x41: {  	_ = 	snop;
	(pc) =	sbr.rel @p0 .LBB2_2-.Ltmp2, $3  }
0x42: {  	_ =	sdelay $0x1  }
0x43: {  	s15 =	sadd.s32 $0x200, s15  }
0x44: {  	s12 =	sadd.s32 $0x200, s12;
	s14 =	sadd.s32 $0x200, s14;
	s13 =	sadd.s32 $0x200, s13  }
0x45: {  	s11 =	sadd.s32 $0x1, s11  }
0x46: {  	p0 =	sne.s32 s11, s8  }
.Ltmp3:
0x47: {  	_ = 	snop;
	(pc) =	sbr.rel @p0 .LBB2_1-.Ltmp3, $1  }
0x48: {  	_ =	sdelay $0x3  }
0x49: {  	_ =	sfence.sel $0x180000  }
0x4a: {  	[bflag:$0x0] =	sbarrier.arrive $0xFFFF  }
0x4b: {  	p0 =	sne.s32 s0, $0x0;
	_ =	strace $0x9000004A  }
0x4c: {  	s0 =	sadd.s32 @!p0 $0x100000, s1;
	[bflag:$0x2] =	sbarrier.arrive $0xFFFF  }
0x4d: {  	[sflag:s0] =	ssyncadd.tile.s32 @!p0 $0x1;
	_ =	shalt  }
.Lfunc_end2:
_tile_overlayer_lowered:
.L_overlay_start_2:
0x4e: {  	(tag) =	ssettag $0x2  }
0x4f: {  	s0 =	rddreg [dreg:$0x0];
	s2 =	stileid.u32  }
0x50: {  	s1 =	rddreg [dreg:$0x1];
	p0 =	sne.s32 s2, $0x0  }
0x51: {  	s3 =	rddreg [dreg:$0x2];
	[bflag:$0x3] =	sbarrier.arrive $0xFFFF;
	s2 =	simm.s32 @!p0 $0x1C01  }
0x52: {  	[timem:s3], [sflag:s2] =	dma.local @!p0 [hbm:s0], s1  }
0x53: {  	s0 =	simm.s32 @!p0 $0x1  }
0x54: {  	_ =	swait.ge @!p0 [sflag:s0], s1  }
0x55: {  	s1 =	ssub.s32 @!p0 $0x0, s1;
	[sflag:s0] =	ssyncset.done @!p0 $0x0  }
0x56: {  	[sflag:s0] =	ssyncadd.s32 @!p0 s1  }
0x57: {  	[bflag:$0x3] =	sbarrier.arrive $0xFFFF  }
0x58: {  	_ =	shalt  }

// kernel: sparse-core-data-format-call.cloned.1.call-start
scs
called_computation_lowered:
.L_overlay_start_0:
0x0: {  	s2 =	sld [smem:$0x3FD9]  }
0x1: {  	s3 =	sld [smem:$0x3FFE];
	_ =	sdelay $0x1  }
0x2: {  	s1 =	srdreg.scid  }
0x3: {  	s0 =	sand.u32 $0x1, s1  }
0x4: {  	s18 =	sshll.u32 s0, $0xA;
	s2 =	sadd.s32 s3, s2  }
0x5: {  	s2 =	sadd.s32 s2, s18  }
0x6: {  	[smem:$0x3FC6] =	sst s2  }
0x7: {  	_ = 	snop  }
0x8: {  	s2 =	sld [smem:$0x3FD0];
	(tm) =	ssettm $0x1  }
0x9: {  	s19 =	sld [smem:$0x3FFB];
	_ =	sdelay $0x3  }
0xa: {  	_ =	strace s19  }
0xb: {  	s3 =	sld [smem:$0x3FFC];
	_ =	sdelay $0x3  }
0xc: {  	_ =	strace s3  }
0xd: {  	s3 =	sld [smem:$0x3FFD];
	_ =	sdelay $0x3  }
0xe: {  	_ =	strace s3  }
0xf: {  	_ =	strace $0x8FFFFFFF  }
0x10: {  	s20 =	sld [smem:$0x3FDB];
	_ =	sdelay $0x1  }
0x11: {  	s4 =	simm.s32 $_scs_section_size  }
0x12: {  	s5 =	simm.s32 $_size__tile_overlayer_lowered;
	s6 =	simm.s32 $_tile_overlayer_lowered  }
0x13: {  	s23 =	simm.s32 $0x1BFF;
	s22 =	sshll.u32 s6, $0x1;
	s3 =	sadd.s32 s4, s20  }
0x14: {  	s7 =	simm.s32 $0x0;
	s21 =	sshll.u32 s5, $0x1;
	s5 =	sadd.s32 s22, s3  }
0x15: {  	[timem:s7], [sflag:s23] =	dma.local [hbm:s5], s21  }
0x16: {  	_ =	swait.ge [sflag:s23], s21  }
0x17: {  	s4 =	ssub.s32 $0x0, s21;
	[sflag:s23] =	ssyncset.done $0x0  }
0x18: {  	[sflag:s23] =	ssyncadd.s32 s4;
	_ =	sdelay $0x1  }
0x19: {  	s24 =	simm.s32 $0x1B8B  }
0x1a: {  	_ =	swait.ge [sflag:s24], $0x1  }
0x1b: {  	[sflag:s24] =	ssyncset.done $0x0  }
0x1c: {  	s26 =	simm.s32 $0x1B8E;
	s25 =	sld [smem:$0x3FFE];
	[sflag:s24] =	ssyncadd.s32 $0xFFFFFFFF  }
0x1d: {  	s27 =	simm.s32 $execute0_lowered;
	[smem:$0x3FD2] =	sst s26  }
0x1e: {  	s5 =	sshll.u32 s27, $0x1;
	_ =	strace $0x8000004C;
	[dreg:$0x1] =	wrdreg $0xFFFFFFFF  }
0x1f: {  	s28 =	simm.s32 $_size_execute0_lowered;
	s3 =	sadd.s32 s3, s5;
	[dreg:$0x0] =	wrdreg $0x0  }
0x20: {  	s5 =	sshll.u32 s28, $0x1;
	[dreg:$0x2] =	wrdreg s3  }
0x21: {  	[dreg:$0x3] =	wrdreg s5  }
0x22: {  	[dreg:$0x4] =	wrdreg $0xC0  }
0x23: {  	_ =	task [dreg:s7], $0x5FFFF  }
0x24: {  	[dreg:$0x1] =	wrdreg $0xFFFFFFFF  }
0x25: {  	[dreg:$0x0] =	wrdreg $0x60  }
0x26: {  	[dreg:$0x2] =	wrdreg s25  }
0x27: {  	[dreg:$0x3] =	wrdreg s2  }
0x28: {  	[dreg:$0x4] =	wrdreg $0x9  }
0x29: {  	_ =	task.clear_ibuf [dreg:s7], $0x5FFFF;
	_ =	strace $0x9000004C  }
0x2a: {  	s29 =	simm.s32 $0x9;
	_ =	strace $0x8000004E  }
0x2b: {  	_ =	swait.ge [sflag:s29], $0x1  }
0x2c: {  	[sflag:s29] =	ssyncadd.s32 $0xFFFFFFFF  }
0x2d: {  	_ =	strace $0x9000004E  }
0x2e: {  	_ =	sfence  }
0x2f: {  	s30 =	sld [smem:$0x0];
	_ =	sdelay $0x2  }
0x30: {  	s31 =	sshll.u32 s1, $0xD;
	s1 =	sshrl.u32 s1, $0x2  }
0x31: {  	s3 =	sand.u32 $0x4000, s31;
	s1 =	sadd.s32 s1, s30  }
0x32: {  	s0 =	sor.u32 s3, s0;
	s1 =	sshll.u32 s1, $0x11  }
0x33: {  	s0 =	sor.u32 s1, s0  }
0x34: {  	s0 =	sadd.s32 $0x8F2B, s0  }
0x35: {  	[sflag:s0] =	ssyncadd.remote.s32 $0x1  }
0x36: {  	_ =	sfence.sel $0xFFFF  }
0x37: {  	[dreg:$0x0] =	wrdreg $0xFFFFFFFF;
	(pc) =	sbr.abs _section_cstart, $3  }
0x38: {  	[dreg:$0x1] =	wrdreg $0xFFFFFFFF  }
0x39: {  	_ =	task.clear_ibuf [dreg:s7], $0x2FFFF;
	_ =	strace $0x9FFFFFFF  }
0x3a: {  	(tm) =	ssettm $0x7FFFFFFF  }
0x3b: {  	_ =	shalt  }
tec
execute0_lowered:
.L_overlay_start_1:
0x0: {  	(tag) =	ssettag $0x1  }
0x1: {  	s0 =	srdreg.scid  }
0x2: {  	s1 =	sshll.u32 s0, $0x4  }
0x3: {  	s6 =	rddreg [dreg:$0x0];
	s0 =	stileid.u32;
	s1 =	sand.u32 $0x10, s1  }
0x4: {  	s3 =	rddreg [dreg:$0x1];
	s1 =	sor.u32 s0, s1  }
0x5: {  	s5 =	simm.s32 $0x1;
	s31 =	simm.s32 $0x2;
	s2 =	sshll.u32 s1, $0x7  }
0x6: {  	s15 =	simm.s32 $0x0;
	s8 =	simm.s32 $0x8000;
	s4 =	ssub.s32 $0x1000, s2  }
0x7: {  	s14 =	simm.s32 $0x0;
	s9 =	simm.s32 $0x0;
	s30 =	sand.u32 $0xF80, s4  }
0x8: {  	s10 =	simm.s32 $0x0;
	s11 =	simm.s32 $0x0;
	p0 =	sne.s32 s30, $0x0  }
.Ltmp0:
0x9: {  	s7 =	sshrl.u32 s4, $0xC;
	s5 =	simm.s32 @!p0 $0x0;
	(pc) =	sbr.rel .LBB1_1-.Ltmp0, $4  }
0xa: {  	s13 =	simm.s32 $0x0;
	s1 =	rddreg [dreg:$0x2];
	s5 =	sadd.s32 s5, s7  }
0xb: {  	_ =	strace $0x8000004D;
	s4 =	simm.s32 $0x1;
	s5 =	smul.u32 $0x25, s5  }
0xc: {  	s6 =	sadd.s32 $0xA00, s6;
	s12 =	smov.u32 s2;
	[sflag:s4] =	ssyncpa.u1 $0x0  }
0xd: {  	[sflag:s31] =	ssyncpa.u1 $0x0;
	p0 =	por $0x0, $0x0;
	s7 =	sadd.s32 $0x1, s5  }
.LBB1_4:
0xe: {  	s20 =	sshra.s32 s20, $0x2  }
0xf: {  	s28 =	sand.u32 $0x78, s10;
	s21 =	sshll.u32 s9, $0xC;
	s22 =	sshll.u32 s10, $0x3  }
0x10: {  	s24 =	sshll.u32 s9, $0x7;
	p1 =	sgt.s32 s9, $0x11C0;
	s30 =	sshra.s32 s9, $0x1F  }
0x11: {  	s26 =	sshra.s32 s10, $0x1F;
	s19 =	sadd.s32 s20, s19;
	s21 =	sand.u32 $0xFFFF8000, s21  }
0x12: {  	v5 =	vld [tilespmem:s17+$0xFFFFFFD0];
	[tilespmem:s18+$0x2040 ss:$0x81] =	vst.msk $0xffff, v4;
	s23 =	sand.u32 $0xFFFFFC00, s22;
	s29 =	sand.u32 $0x380, s24;
	s22 =	sand.u32 $0xC00, s22  }
0x13: {  	v58 =	vld [tilespmem:s17+$0xFFFFFFE0];
	[tilespmem:s18+$0x2850 ss:$0x81] =	vst.msk $0xffff, v3;
	s21 =	sadd.s32 s23, s21;
	s20 =	sor.u32 s28, s22;
	s22 =	smov.u32 s9  }
0x14: {  	v59 =	vld [tilespmem:s17+$0xFFFFFFF0];
	[tilespmem:s18+$0x3060 ss:$0x81] =	vst.msk $0xffff, v2;
	s24 =	sand.u32 s30, s9;
	s21 =	sshrl.u32 s21, $0xC;
	s22 =	simm.s32 @!p1 $0x11C0  }
0x15: {  	v60 =	vld [tilespmem:s17+$0x0];
	[tilespmem:s18+$0x0 ss:$0x81] =	vst.msk $0xffff, v1;
	p1 =	sgt.s32 s10, $0xF80;
	s31 =	ssub.s32 s22, s24;
	s22 =	smov.u32 s10  }
0x16: {  	v61 =	vld [tilespmem:s17+$0x10];
	[tilespmem:s19+$0x3870 ss:$0x81] =	vst.msk $0xffff, v0;
	s25 =	smulhi.u32 $0xE0704, s21;
	s24 =	sand.u32 s26, s10;
	s22 =	simm.s32 @!p1 $0xF80  }
0x17: {  	v62 =	vld [tilespmem:s17+$0x20];
	s20 =	sor.u32 s29, s20;
	[tilespmem:s19+$0x810 ss:$0x81] =	vst.msk $0xffff, v5;
	s27 =	sadd.s32 $0xFFFFEE40, s31;
	s22 =	ssub.s32 s22, s24  }
0x18: {  	v63 =	vld [tilespmem:s17+$0xFFFFFFC0];
	[tilespmem:s19+$0x1020 ss:$0x81] =	vst.msk $0xffff, v58;
	s18 =	ssub.s32 $0x1240, s31;
	s28 =	smul.u32 $0x1240, s25;
	s29 =	sadd.s32 $0xFFFFF080, s22  }
0x19: {  	[tilespmem:s19+$0x1830 ss:$0x81] =	vst.msk $0xffff, v59;
	p1 =	sgt.s32 s27, $0x7F;
	s22 =	ssub.s32 $0x1000, s22;
	p2 =	sgt.s32 s29, $0x7F  }
0x1a: {  	s30 =	sand.u32 $0x7, s10;
	[tilespmem:s19+$0x2040 ss:$0x81] =	vst.msk $0xffff, v60;
	s18 =	simm.s32 @p1 $0x0;
	s22 =	simm.s32 @p2 $0x0  }
0x1b: {  	s20 =	sshrl.u32 s20, $0x3;
	[tilespmem:s19+$0x2850 ss:$0x81] =	vst.msk $0xffff, v61;
	s17 =	ssub.s32 s21, s28;
	s18 =	smul.u32 s22, s18  }
0x1c: {  	[tilespmem:s19+$0x3060 ss:$0x81] =	vst.msk $0xffff, v62;
	s20 =	sadd.s32 s3, s20;
	s21 =	sshll.u32 s30, $0x12;
	s17 =	sshll.u32 s17, $0x9  }
0x1d: {  	[tilespmem:s19+$0x0 ss:$0x81] =	vst.msk $0xffff, v63;
	s31 =	sor.u32 $0x400, s21;
	s17 =	sadd.s32 s17, s20;
	s18 =	sand.u32 $0x3FFFFFFF, s18  }
0x1e: {  	[hbm4b:s17+s31] =	stream.strided.scatter [tilespmem:s16], [sflag:$0x2], s18, s8, s31, $0x20;
	[tilespmem:$0x10100] =	vst v63  }
.LBB1_5:
0x1f: {  	p1 =	slt.u32 s13, $0x2  }
0x20: {  	s17 =	smov.u32 s15;
	p2 =	sgt.s32 @!p1 s15, $0x11C0;
	s16 =	sshra.s32 @!p1 s15, $0x1F  }
0x21: {  	p3 =	sgt.s32 @!p1 s14, $0xF80;
	s18 =	sshra.s32 @!p1 s14, $0x1F;
	p2 =	por !p2, p1  }
0x22: {  	s15 =	sand.u32 @!p1 s16, s15;
	p3 =	por !p3, p1;
	s16 =	smov.u32 s14  }
0x23: {  	s14 =	sand.u32 @!p1 s18, s14;
	s17 =	simm.s32 @p2 $0x11C0;
	s16 =	simm.s32 @p3 $0xF80  }
0x24: {  	s15 =	ssub.s32 @!p1 s17, s15;
	s14 =	ssub.s32 @!p1 s16, s14  }
0x25: {  	s18 =	smov.u32 s12;
	s16 =	sadd.s32 @!p1 $0xFFFFEE40, s15;
	s17 =	sadd.s32 @!p1 $0xFFFFF080, s14  }
0x26: {  	s15 =	ssub.s32 @!p1 $0x1240, s15;
	p2 =	sgt.s32 @!p1 s16, $0x7F;
	p3 =	sgt.s32 @!p1 s17, $0x7F  }
0x27: {  	s14 =	ssub.s32 @!p1 $0x1000, s14;
	p2 =	por !p2, p1;
	p3 =	por !p3, p1  }
0x28: {  	s16 =	sadd.s32 $0x80, s11;
	s15 =	simm.s32 @!p2 $0x0;
	s14 =	simm.s32 @!p3 $0x0  }
0x29: {  	p2 =	sgt.s32 s16, $0x123F;
	s14 =	smul.u32 @!p1 s14, s15;
	s15 =	sadd.s32 $0x1000, s12  }
0x2a: {  	s18 =	smov.u32 @p2 s15  }
0x2b: {  	s16 =	simm.s32 @p2 $0x0;
	p2 =	sgt.s32 s18, $0xFFF  }
0x2c: {  	s18 =	smov.u32 @p2 s2;
	p2 =	sne.s32 s13, s7  }
.Ltmp1:
0x2d: {  	p0 =	por !p0, !p0;
	s17 =	simm.s32 @!p1 $0x2;
	(pc) =	sbr.rel @!p2 .LBB1_6-.Ltmp1, $4  }
0x2e: {  	s15 =	smov.u32 s9;
	s9 =	smov.u32 s11;
	s14 =	sand.u32 @!p1 $0x3FFFFFFF, s14  }
0x2f: {  	s11 =	smov.u32 s16;
	_ =	swait.ge @!p1 [sflag:s17], s14;
	s19 =	ssub.s32 @!p1 $0x0, s14  }
0x30: {  	s14 =	smov.u32 s10;
	s13 =	sadd.s32 $0x1, s13;
	[sflag:s17] =	ssyncset.done @!p1 $0x0  }
0x31: {  	s10 =	smov.u32 s12;
	s12 =	smov.u32 s18;
	[sflag:s17] =	ssyncadd.s32 @!p1 s19  }
.LBB1_1:
0x32: {  	p1 =	sge.u32 s13, s5  }
0x33: {  	s16 =	sshrl.u32 @!p1 s12, $0x3  }
0x34: {  	s17 =	sshll.u32 @!p1 s11, $0x3;
	s16 =	smul.u32 @!p1 $0x9400, s16  }
0x35: {  	s18 =	sshll.u32 @!p1 s12, $0x7;
	s17 =	sand.u32 @!p1 $0xFFFFFC00, s17  }
0x36: {  	s16 =	sadd.s32 @!p1 s16, s17;
	s17 =	sand.u32 @!p1 $0x380, s18  }
0x37: {  	s16 =	sor.u32 @!p1 s17, s16  }
0x38: {  	s17 =	sshrl.u32 @!p1 s16, $0x7  }
0x39: {  	s17 =	smulhi.u32 @!p1 $0x6EB3E46, s17;
	_ =	sdelay $0x1  }
0x3a: {  	s18 =	sand.u32 @!p1 $0x7F, s11;
	s19 =	smul.u32 @!p1 $0x1280, s17  }
0x3b: {  	s31 =	sadd.s32 $0xFFFFFFFF, s13;
	s16 =	sor.u32 @!p1 s18, s16;
	s18 =	sxor.u32 @!p1 $0xFFFFFFFF, s13  }
0x3c: {  	s18 =	sshll.u32 @!p1 s18, $0xE;
	s17 =	sand.u32 @!p1 $0xFFF, s17;
	s16 =	ssub.s32 @!p1 s16, s19  }
0x3d: {  	s17 =	smul.u32 @!p1 $0x250, s17;
	s19 =	sshrl.u32 @!p1 s16, $0x3;
	s16 =	sand.u32 @!p1 $0x7, s16  }
0x3e: {  	s18 =	sand.u32 @!p1 $0x4000, s18;
	s19 =	sadd.s32 @!p1 s6, s19;
	s16 =	sshll.u32 @!p1 s16, $0x12  }
0x3f: {  	s17 =	sadd.s32 @!p1 s17, s19;
	s16 =	sor.u32 @!p1 $0x400, s16;
	s19 =	simm.s32 @!p1 $0x9400  }
0x40: {  	[tilespmem:s18], [sflag:$0x1] =	stream.strided.gather @!p1 [hbm4b:s17+s16], $0x4000, s19, s16, $0x38;
	[tilespmem:$0x10100] =	vst v63  }
0x41: {  	p1 =	sge.u32 s31, s5  }
.Ltmp2:
0x42: {  	_ = 	snop;
	(pc) =	sbr.rel @p1 .LBB1_5-.Ltmp2, $1  }
0x43: {  	_ =	sdelay $0x3  }
0x44: {  	s16 =	simm.s32 $0x1  }
0x45: {  	_ =	swait.ge [sflag:s4], $0x4000;
	s16 =	simm.s32 @!p0 $0x0  }
0x46: {  	[sflag:s4] =	ssyncset.done $0x0;
	s17 =	sshll.u32 s16, $0xE  }
0x47: {  	[sflag:s4] =	ssyncadd.s32 $0xFFFFC000;
	s17 =	sor.u32 $0x40, s17  }
0x48: {  	s16 =	smul.u32 $0x10200, s16;
	v0 =	vld [tilespmem:s17+$0x30]  }
0x49: {  	v1 =	vld [tilespmem:s17+$0xFFFFFFD0]  }
0x4a: {  	s16 =	sshrl.u32 s16, $0x2;
	v5 =	vld [tilespmem:s17+$0xFFFFFFE0]  }
0x4b: {  	v6 =	vld [tilespmem:s17+$0xFFFFFFF0];
	s19 =	sor.u32 $0x8000, s16  }
0x4c: {  	s31 =	sand.u32 $0x1, s13;
	v4 =	vld [tilespmem:s17+$0x0];
	s18 =	sadd.s32 $0x0, s19  }
0x4d: {  	v3 =	vld [tilespmem:s17+$0x10];
	s16 =	smul.u32 $0x10200, s31;
	[tilespmem:s18+$0x3870 ss:$0x81] =	vst.msk $0xffff, v0  }
0x4e: {  	v2 =	vld [tilespmem:s17+$0x20];
	[tilespmem:s18+$0x810 ss:$0x81] =	vst.msk $0xffff, v1  }
0x4f: {  	s16 =	sshrl.u32 s16, $0x2;
	v1 =	vld [tilespmem:s17+$0xFFFFFFC0];
	[tilespmem:s18+$0x1020 ss:$0x81] =	vst.msk $0xffff, v5;
	s17 =	sadd.s32 $0x80, s17  }
0x50: {  	s20 =	simm.s32 $0x4;
	s21 =	simm.s32 $0x8;
	s16 =	sor.u32 $0x8000, s16;
	[tilespmem:s18+$0x1830 ss:$0x81] =	vst.msk $0xffff, v6;
	v0 =	vld [tilespmem:s17+$0x30]  }
.LBB1_3:
0x51: {  	p1 =	sne.s32 s21, $0x1FC;
	v5 =	vld [tilespmem:s17+$0xFFFFFFD0];
	[tilespmem:s18+$0x2040 ss:$0x81] =	vst.msk $0xffff, v4  }
0x52: {  	v6 =	vld [tilespmem:s17+$0xFFFFFFE0];
	[tilespmem:s18+$0x2850 ss:$0x81] =	vst.msk $0xffff, v3  }
0x53: {  	s22 =	sshra.s32 s20, $0x2;
	s20 =	smov.u32 s21;
	v7 =	vld [tilespmem:s17+$0xFFFFFFF0];
	[tilespmem:s18+$0x3060 ss:$0x81] =	vst.msk $0xffff, v2  }
.Ltmp3:
0x54: {  	v4 =	vld [tilespmem:s17+$0x0];
	[tilespmem:s18+$0x0 ss:$0x81] =	vst.msk $0xffff, v1;
	s18 =	sadd.s32 s22, s19;
	(pc) =	sbr.rel @p1 .LBB1_3-.Ltmp3, $4  }
0x55: {  	v3 =	vld [tilespmem:s17+$0x10];
	[tilespmem:s18+$0x3870 ss:$0x81] =	vst.msk $0xffff, v0  }
0x56: {  	[tilespmem:s18+$0x810 ss:$0x81] =	vst.msk $0xffff, v5;
	v2 =	vld [tilespmem:s17+$0x20]  }
0x57: {  	v1 =	vld [tilespmem:s17+$0xFFFFFFC0];
	[tilespmem:s18+$0x1020 ss:$0x81] =	vst.msk $0xffff, v6;
	s17 =	sadd.s32 $0x80, s17  }
0x58: {  	s21 =	sadd.s32 $0x4, s21;
	v0 =	vld [tilespmem:s17+$0x30];
	[tilespmem:s18+$0x1830 ss:$0x81] =	vst.msk $0xffff, v7  }
.Ltmp4:
0x59: {  	_ = 	snop;
	(pc) =	sbr.rel .LBB1_4-.Ltmp4, $1  }
0x5a: {  	_ =	sdelay $0x3  }
.LBB1_6:
0x5b: {  	_ =	sfence.sel $0x180000  }
0x5c: {  	s2 =	simm.s32 $0x1;
	[bflag:$0x0] =	sbarrier.arrive $0xFFFF  }
0x5d: {  	s31 =	simm.s32 $0x2;
	[sflag:s2] =	ssyncpa.u1 $0x1  }
0x5e: {  	[sflag:s31] =	ssyncpa.u1 $0x1  }
0x5f: {  	p0 =	sne.s32 s0, $0x0;
	_ =	strace $0x9000004D  }
0x60: {  	s0 =	sadd.s32 @!p0 $0x100000, s1;
	[bflag:$0x2] =	sbarrier.arrive $0xFFFF  }
0x61: {  	[sflag:s0] =	ssyncadd.tile.s32 @!p0 $0x1;
	_ =	shalt  }
.Lfunc_end1:
_tile_overlayer_lowered:
.L_overlay_start_2:
0x62: {  	(tag) =	ssettag $0x2  }
0x63: {  	s0 =	rddreg [dreg:$0x0];
	s2 =	stileid.u32  }
0x64: {  	s1 =	rddreg [dreg:$0x1];
	p0 =	sne.s32 s2, $0x0  }
0x65: {  	s3 =	rddreg [dreg:$0x2];
	[bflag:$0x3] =	sbarrier.arrive $0xFFFF;
	s2 =	simm.s32 @!p0 $0x1C01  }
0x66: {  	[timem:s3], [sflag:s2] =	dma.local @!p0 [hbm:s0], s1  }
0x67: {  	s0 =	simm.s32 @!p0 $0x1  }
0x68: {  	_ =	swait.ge @!p0 [sflag:s0], s1  }
0x69: {  	s1 =	ssub.s32 @!p0 $0x0, s1;
	[sflag:s0] =	ssyncset.done @!p0 $0x0  }
0x6a: {  	[sflag:s0] =	ssyncadd.s32 @!p0 s1  }
0x6b: {  	[bflag:$0x3] =	sbarrier.arrive $0xFFFF  }
0x6c: {  	_ =	shalt  }

</sc_bundles>
